<compile_context>
chip_gen: v7x
topology: tpu7x:2x2x1
jax: 0.10.2.dev20260603
libtpu: 0.0.44.dev20260713+nightly
codegen_flags: <defaults>
</compile_context>

<pallas_src>
import functools

import jax
import jax.numpy as jnp
from jax import lax
from jax.experimental import pallas as pl
from jax.experimental.pallas import tpu as pltpu
from jax.experimental.pallas import tpu_sc as plsc

VOCAB = 73
VOCAB_PAD = 80
GLYPH_DIM = 256
OUT_DIM = 512
B, L = 1024, 200
NTOK = B * L
NWORKERS = 32
PER_W = NTOK // NWORKERS
CHUNK = 32
NCHUNK = PER_W // CHUNK


def _table_body(s_ref, w_ref, b_ref, o_ref):
    o_ref[0] = lax.dot_general(
        s_ref[...], w_ref[...],
        (((1,), (1,)), ((), ())),
        preferred_element_type=jnp.float32,
    ) + b_ref[...]


NBUF = 5


def _gather_body(table_hbm, idx_hbm, out_hbm, idx_v, *bufs):
    rows = list(bufs[:NBUF])
    gsem = list(bufs[NBUF:2 * NBUF])
    osem = list(bufs[2 * NBUF:])
    cid = lax.axis_index("c")
    sid = lax.axis_index("s")
    wid = sid * 2 + cid
    row_base = wid * PER_W

    table_w = table_hbm.at[wid]
    pltpu.sync_copy(idx_hbm.at[wid], idx_v)



    def out_slc(c):
        return out_hbm.at[pl.ds(row_base + c * CHUNK, CHUNK)]

    for k in range(NBUF):
        pltpu.async_copy(table_w.at[idx_v.at[k]], rows[k], gsem[k])

    def step(s, _):
        for k in range(NBUF):
            c = s * NBUF + k
            pltpu.make_async_copy(table_w.at[idx_v.at[c]], rows[k],
                                  gsem[k]).wait()
            pltpu.async_copy(rows[k], out_slc(c), osem[k])
        for k in range(NBUF):
            c = s * NBUF + k
            pltpu.make_async_copy(rows[k], out_slc(c), osem[k]).wait()

            @pl.when(c + NBUF < NCHUNK)
            def _():
                pltpu.async_copy(table_w.at[idx_v.at[c + NBUF]], rows[k],
                                 gsem[k])
        return 0

    lax.fori_loop(0, NCHUNK // NBUF, step, 0)


def kernel(QR, syms, W, b):
    syms_pad = jnp.pad(syms, ((0, VOCAB_PAD - VOCAB), (0, 0)))
    table = pl.pallas_call(
        _table_body,
        grid=(NWORKERS,),
        in_specs=[
            pl.BlockSpec((VOCAB_PAD, GLYPH_DIM), lambda i: (0, 0)),
            pl.BlockSpec((OUT_DIM, GLYPH_DIM), lambda i: (0, 0)),
            pl.BlockSpec((1, OUT_DIM), lambda i: (0, 0)),
        ],
        out_specs=pl.BlockSpec((1, VOCAB_PAD, OUT_DIM), lambda i: (i, 0, 0)),
        out_shape=jax.ShapeDtypeStruct((NWORKERS, VOCAB_PAD, OUT_DIM),
                                       jnp.float32),
    )(syms_pad, W, b.reshape(1, OUT_DIM))

    idx = QR.reshape(NWORKERS, NCHUNK, CHUNK)
    mesh = plsc.VectorSubcoreMesh(core_axis_name="c", subcore_axis_name="s")
    gather = functools.partial(
        pl.kernel,
        out_type=jax.ShapeDtypeStruct((NTOK, OUT_DIM), jnp.float32),
        mesh=mesh,
        scratch_types=(
            [pltpu.VMEM((NCHUNK, CHUNK), jnp.int32)]
            + [pltpu.VMEM((CHUNK, OUT_DIM), jnp.float32)] * NBUF
            + [pltpu.SemaphoreType.DMA] * (2 * NBUF)
        ),
    )(_gather_body)
    out = gather(table, idx)
    return out.reshape(B, L, OUT_DIM)

# --- scband reference (transcript-rebuilt; emitter-appended) ---
"""Pipeline reference for scband-unifont-mod-62139586838844 (READ-ONLY COPY).

The authoritative reference and input builder live on the scoring server;
editing this copy changes nothing except your own understanding.
"""

import jax, jax.numpy as jnp
import numpy as np

VOCAB = 73      # len(alph) + 1 zero row inserted at index 0
GLYPH_DIM = 256 # 16x16 unifont bitmap flattened
OUT_DIM = 512
B, L = 1024, 200


def setup_inputs(seed: int = 0) -> dict:
    key = jax.random.key(seed)
    k1, k2, k3, k4 = jax.random.split(key, 4)
    # character-index sequence (0 is the pad/zero glyph)
    QR = jax.random.randint(k1, (B, L), 0, VOCAB, dtype=jnp.int32)
    # syms_repr table: row 0 is zeros (pad), rest are glyph bitmaps.
    # The real module loads binary unifont bitmaps from a pickle; we materialize
    # a table of the same shape/dtype (values in [0,1] like bitmap pixels).
    syms = jax.random.uniform(k2, (VOCAB, GLYPH_DIM), dtype=jnp.float32)
    syms = syms.at[0].set(0.0)
    syms = (syms > 0.5).astype(jnp.float32)  # binary bitmap-like
    # linear projection params (torch.nn.Linear: out = x @ W.T + b)
    W = jax.random.normal(k3, (OUT_DIM, GLYPH_DIM), dtype=jnp.float32) * (1.0 / np.sqrt(GLYPH_DIM))
    b = jax.random.normal(k4, (OUT_DIM,), dtype=jnp.float32) * 0.01
    return {"QR": QR, "syms": syms, "W": W, "b": b}


def reference(QR, syms, W, b):
    # forward (proj_type == 'linear'):
    #   return self.linear(self.syms_repr[QR])
    emb = jnp.take(syms, QR, axis=0)        # [B, L, GLYPH_DIM] gather
    out = emb @ W.T + b                     # [B, L, OUT_DIM]
    return out

if __name__ == "__main__":
    import jax
    _d = setup_inputs()
    print(jax.jit(kernel)(*tuple(_d.values())))

</pallas_src>

<mosaic_0001>
#map = affine_map<(d0, d1) -> (0, 0, 0)>
#map1 = affine_map<(d0, d1) -> (0, 0)>
module attributes {stable_mosaic.version = 14 : i64} {
  func.func @_gather_body(%arg0: i32, %arg1: i32, %arg2: memref<32x80x512xf32, #tpu.memory_space<hbm>>, %arg3: memref<32x200x32xi32, #tpu.memory_space<hbm>>, %arg4: memref<204800x512xf32, #tpu.memory_space<hbm>>, %arg5: memref<200x32xi32, #tpu.memory_space<vmem>>, %arg6: memref<32x512xf32, #tpu.memory_space<vmem>>, %arg7: memref<32x512xf32, #tpu.memory_space<vmem>>, %arg8: memref<32x512xf32, #tpu.memory_space<vmem>>, %arg9: memref<32x512xf32, #tpu.memory_space<vmem>>, %arg10: memref<32x512xf32, #tpu.memory_space<vmem>>, %arg11: memref<!tpu.dma_semaphore, #tpu.memory_space<semaphore_mem>>, %arg12: memref<!tpu.dma_semaphore, #tpu.memory_space<semaphore_mem>>, %arg13: memref<!tpu.dma_semaphore, #tpu.memory_space<semaphore_mem>>, %arg14: memref<!tpu.dma_semaphore, #tpu.memory_space<semaphore_mem>>, %arg15: memref<!tpu.dma_semaphore, #tpu.memory_space<semaphore_mem>>, %arg16: memref<!tpu.dma_semaphore, #tpu.memory_space<semaphore_mem>>, %arg17: memref<!tpu.dma_semaphore, #tpu.memory_space<semaphore_mem>>, %arg18: memref<!tpu.dma_semaphore, #tpu.memory_space<semaphore_mem>>, %arg19: memref<!tpu.dma_semaphore, #tpu.memory_space<semaphore_mem>>, %arg20: memref<!tpu.dma_semaphore, #tpu.memory_space<semaphore_mem>>) attributes {dimension_semantics = [#tpu.dimension_semantics<core_parallel>, #tpu.dimension_semantics<subcore_parallel>], iteration_bounds = array<i64: 2, 16>, scalar_prefetch = 0 : i64, scratch_operands = 16 : i64, tpu.core_type = #tpu.core_type<sc_vector_subcore>, window_params = [{transform_indices = #map}, {transform_indices = #map}, {transform_indices = #map1}]} {
    %mul3A = arith.constant 2 : i32
    %mul3A_0 = arith.muli %arg1, %mul3A : i32
    %add3A = arith.addi %mul3A_0, %arg0 : i32
    %mul3A_1 = arith.constant 6400 : i32
    %mul3A_2 = arith.muli %add3A, %mul3A_1 : i32
    "tpu.region"() ({
      %run_scoped3A = tpu.sem_alloc : memref<!tpu.dma_semaphore, #tpu.memory_space<semaphore_mem>>
      %dma_start3A_63 = arith.constant 0 : i32
      %dma_start3A_64 = arith.constant 0 : i32
      %dma_start3A_65 = tpu.memref_slice %arg3[%add3A, %dma_start3A_63, %dma_start3A_64] : memref<32x200x32xi32, #tpu.memory_space<hbm>> -> memref<1x200x32xi32, #tpu.memory_space<hbm>>
      %dma_start3A_66 = tpu.memref_squeeze %dma_start3A_65 : memref<1x200x32xi32, #tpu.memory_space<hbm>> -> memref<200x32xi32, #tpu.memory_space<hbm>>
      %dma_start3A_67 = arith.constant 0 : i32
      %dma_start3A_68 = arith.constant 0 : i32
      %dma_start3A_69 = tpu.memref_slice %arg3[%add3A, %dma_start3A_67, %dma_start3A_68] : memref<32x200x32xi32, #tpu.memory_space<hbm>> -> memref<1x200x32xi32, #tpu.memory_space<hbm>>
      %dma_start3A_70 = tpu.memref_squeeze %dma_start3A_69 : memref<1x200x32xi32, #tpu.memory_space<hbm>> -> memref<200x32xi32, #tpu.memory_space<hbm>>
      tpu.enqueue_dma source(%dma_start3A_70 : memref<200x32xi32, #tpu.memory_space<hbm>>) target(%arg5 : memref<200x32xi32, #tpu.memory_space<vmem>>) target_semaphore(%run_scoped3A : memref<!tpu.dma_semaphore, #tpu.memory_space<semaphore_mem>>)
      %dma_wait3A = arith.constant 0 : i32
      %dma_wait3A_71 = arith.constant 0 : i32
      %dma_wait3A_72 = tpu.memref_slice %arg3[%add3A, %dma_wait3A, %dma_wait3A_71] : memref<32x200x32xi32, #tpu.memory_space<hbm>> -> memref<1x200x32xi32, #tpu.memory_space<hbm>>
      %dma_wait3A_73 = tpu.memref_squeeze %dma_wait3A_72 : memref<1x200x32xi32, #tpu.memory_space<hbm>> -> memref<200x32xi32, #tpu.memory_space<hbm>>
      %dma_wait3A_74 = arith.constant 0 : i32
      %dma_wait3A_75 = arith.constant 0 : i32
      %dma_wait3A_76 = tpu.memref_slice %arg3[%add3A, %dma_wait3A_74, %dma_wait3A_75] : memref<32x200x32xi32, #tpu.memory_space<hbm>> -> memref<1x200x32xi32, #tpu.memory_space<hbm>>
      %dma_wait3A_77 = tpu.memref_squeeze %dma_wait3A_76 : memref<1x200x32xi32, #tpu.memory_space<hbm>> -> memref<200x32xi32, #tpu.memory_space<hbm>>
      tpu.wait_dma2 semaphore(%run_scoped3A : memref<!tpu.dma_semaphore, #tpu.memory_space<semaphore_mem>>) src(%dma_wait3A_77 : memref<200x32xi32, #tpu.memory_space<hbm>>) dst(%arg5 : memref<200x32xi32, #tpu.memory_space<vmem>>)
      tpu.yield
    }) : () -> ()
    %dma_start3A = arith.constant 0 : i32
    %dma_start3A_3 = arith.constant 0 : i32
    %dma_start3A_4 = tpu.memref_slice %arg5[%dma_start3A, %dma_start3A_3] : memref<200x32xi32, #tpu.memory_space<vmem>> -> memref<1x32xi32, #tpu.memory_space<vmem>>
    %dma_start3A_5 = tpu.memref_squeeze %dma_start3A_4 : memref<1x32xi32, #tpu.memory_space<vmem>> -> memref<32xi32, #tpu.memory_space<vmem>>
    %dma_start3A_6 = arith.constant 0 : i32
    %dma_start3A_7 = arith.constant 0 : i32
    %dma_start3A_8 = tpu.memref_slice %arg2[%add3A, %dma_start3A_6, %dma_start3A_7] : memref<32x80x512xf32, #tpu.memory_space<hbm>> -> memref<1x80x512xf32, #tpu.memory_space<hbm>>
    %dma_start3A_9 = tpu.memref_squeeze %dma_start3A_8 : memref<1x80x512xf32, #tpu.memory_space<hbm>> -> memref<80x512xf32, #tpu.memory_space<hbm>>
    %dma_start3A_10 = arith.constant 0 : i32
    %dma_start3A_11 = arith.constant 0 : i32
    %dma_start3A_12 = tpu.memref_slice %dma_start3A_9[%dma_start3A_10, %dma_start3A_11] : memref<80x512xf32, #tpu.memory_space<hbm>> -> memref<80x512xf32, #tpu.memory_space<hbm>>
    tpu.enqueue_indirect_dma source(%dma_start3A_12 : memref<80x512xf32, #tpu.memory_space<hbm>>) target(%arg6 : memref<32x512xf32, #tpu.memory_space<vmem>>) offsets(%dma_start3A_5 : memref<32xi32, #tpu.memory_space<vmem>>) semaphore(%arg11 : memref<!tpu.dma_semaphore, #tpu.memory_space<semaphore_mem>>)
    %dma_start3A_13 = arith.constant 1 : i32
    %dma_start3A_14 = arith.constant 0 : i32
    %dma_start3A_15 = tpu.memref_slice %arg5[%dma_start3A_13, %dma_start3A_14] : memref<200x32xi32, #tpu.memory_space<vmem>> -> memref<1x32xi32, #tpu.memory_space<vmem>>
    %dma_start3A_16 = tpu.memref_squeeze %dma_start3A_15 : memref<1x32xi32, #tpu.memory_space<vmem>> -> memref<32xi32, #tpu.memory_space<vmem>>
    %dma_start3A_17 = arith.constant 0 : i32
    %dma_start3A_18 = arith.constant 0 : i32
    %dma_start3A_19 = tpu.memref_slice %arg2[%add3A, %dma_start3A_17, %dma_start3A_18] : memref<32x80x512xf32, #tpu.memory_space<hbm>> -> memref<1x80x512xf32, #tpu.memory_space<hbm>>
    %dma_start3A_20 = tpu.memref_squeeze %dma_start3A_19 : memref<1x80x512xf32, #tpu.memory_space<hbm>> -> memref<80x512xf32, #tpu.memory_space<hbm>>
    %dma_start3A_21 = arith.constant 0 : i32
    %dma_start3A_22 = arith.constant 0 : i32
    %dma_start3A_23 = tpu.memref_slice %dma_start3A_20[%dma_start3A_21, %dma_start3A_22] : memref<80x512xf32, #tpu.memory_space<hbm>> -> memref<80x512xf32, #tpu.memory_space<hbm>>
    tpu.enqueue_indirect_dma source(%dma_start3A_23 : memref<80x512xf32, #tpu.memory_space<hbm>>) target(%arg7 : memref<32x512xf32, #tpu.memory_space<vmem>>) offsets(%dma_start3A_16 : memref<32xi32, #tpu.memory_space<vmem>>) semaphore(%arg12 : memref<!tpu.dma_semaphore, #tpu.memory_space<semaphore_mem>>)
    %dma_start3A_24 = arith.constant 2 : i32
    %dma_start3A_25 = arith.constant 0 : i32
    %dma_start3A_26 = tpu.memref_slice %arg5[%dma_start3A_24, %dma_start3A_25] : memref<200x32xi32, #tpu.memory_space<vmem>> -> memref<1x32xi32, #tpu.memory_space<vmem>>
    %dma_start3A_27 = tpu.memref_squeeze %dma_start3A_26 : memref<1x32xi32, #tpu.memory_space<vmem>> -> memref<32xi32, #tpu.memory_space<vmem>>
    %dma_start3A_28 = arith.constant 0 : i32
    %dma_start3A_29 = arith.constant 0 : i32
    %dma_start3A_30 = tpu.memref_slice %arg2[%add3A, %dma_start3A_28, %dma_start3A_29] : memref<32x80x512xf32, #tpu.memory_space<hbm>> -> memref<1x80x512xf32, #tpu.memory_space<hbm>>
    %dma_start3A_31 = tpu.memref_squeeze %dma_start3A_30 : memref<1x80x512xf32, #tpu.memory_space<hbm>> -> memref<80x512xf32, #tpu.memory_space<hbm>>
    %dma_start3A_32 = arith.constant 0 : i32
    %dma_start3A_33 = arith.constant 0 : i32
    %dma_start3A_34 = tpu.memref_slice %dma_start3A_31[%dma_start3A_32, %dma_start3A_33] : memref<80x512xf32, #tpu.memory_space<hbm>> -> memref<80x512xf32, #tpu.memory_space<hbm>>
    tpu.enqueue_indirect_dma source(%dma_start3A_34 : memref<80x512xf32, #tpu.memory_space<hbm>>) target(%arg8 : memref<32x512xf32, #tpu.memory_space<vmem>>) offsets(%dma_start3A_27 : memref<32xi32, #tpu.memory_space<vmem>>) semaphore(%arg13 : memref<!tpu.dma_semaphore, #tpu.memory_space<semaphore_mem>>)
    %dma_start3A_35 = arith.constant 3 : i32
    %dma_start3A_36 = arith.constant 0 : i32
    %dma_start3A_37 = tpu.memref_slice %arg5[%dma_start3A_35, %dma_start3A_36] : memref<200x32xi32, #tpu.memory_space<vmem>> -> memref<1x32xi32, #tpu.memory_space<vmem>>
    %dma_start3A_38 = tpu.memref_squeeze %dma_start3A_37 : memref<1x32xi32, #tpu.memory_space<vmem>> -> memref<32xi32, #tpu.memory_space<vmem>>
    %dma_start3A_39 = arith.constant 0 : i32
    %dma_start3A_40 = arith.constant 0 : i32
    %dma_start3A_41 = tpu.memref_slice %arg2[%add3A, %dma_start3A_39, %dma_start3A_40] : memref<32x80x512xf32, #tpu.memory_space<hbm>> -> memref<1x80x512xf32, #tpu.memory_space<hbm>>
    %dma_start3A_42 = tpu.memref_squeeze %dma_start3A_41 : memref<1x80x512xf32, #tpu.memory_space<hbm>> -> memref<80x512xf32, #tpu.memory_space<hbm>>
    %dma_start3A_43 = arith.constant 0 : i32
    %dma_start3A_44 = arith.constant 0 : i32
    %dma_start3A_45 = tpu.memref_slice %dma_start3A_42[%dma_start3A_43, %dma_start3A_44] : memref<80x512xf32, #tpu.memory_space<hbm>> -> memref<80x512xf32, #tpu.memory_space<hbm>>
    tpu.enqueue_indirect_dma source(%dma_start3A_45 : memref<80x512xf32, #tpu.memory_space<hbm>>) target(%arg9 : memref<32x512xf32, #tpu.memory_space<vmem>>) offsets(%dma_start3A_38 : memref<32xi32, #tpu.memory_space<vmem>>) semaphore(%arg14 : memref<!tpu.dma_semaphore, #tpu.memory_space<semaphore_mem>>)
    %dma_start3A_46 = arith.constant 4 : i32
    %dma_start3A_47 = arith.constant 0 : i32
    %dma_start3A_48 = tpu.memref_slice %arg5[%dma_start3A_46, %dma_start3A_47] : memref<200x32xi32, #tpu.memory_space<vmem>> -> memref<1x32xi32, #tpu.memory_space<vmem>>
    %dma_start3A_49 = tpu.memref_squeeze %dma_start3A_48 : memref<1x32xi32, #tpu.memory_space<vmem>> -> memref<32xi32, #tpu.memory_space<vmem>>
    %dma_start3A_50 = arith.constant 0 : i32
    %dma_start3A_51 = arith.constant 0 : i32
    %dma_start3A_52 = tpu.memref_slice %arg2[%add3A, %dma_start3A_50, %dma_start3A_51] : memref<32x80x512xf32, #tpu.memory_space<hbm>> -> memref<1x80x512xf32, #tpu.memory_space<hbm>>
    %dma_start3A_53 = tpu.memref_squeeze %dma_start3A_52 : memref<1x80x512xf32, #tpu.memory_space<hbm>> -> memref<80x512xf32, #tpu.memory_space<hbm>>
    %dma_start3A_54 = arith.constant 0 : i32
    %dma_start3A_55 = arith.constant 0 : i32
    %dma_start3A_56 = tpu.memref_slice %dma_start3A_53[%dma_start3A_54, %dma_start3A_55] : memref<80x512xf32, #tpu.memory_space<hbm>> -> memref<80x512xf32, #tpu.memory_space<hbm>>
    tpu.enqueue_indirect_dma source(%dma_start3A_56 : memref<80x512xf32, #tpu.memory_space<hbm>>) target(%arg10 : memref<32x512xf32, #tpu.memory_space<vmem>>) offsets(%dma_start3A_49 : memref<32xi32, #tpu.memory_space<vmem>>) semaphore(%arg15 : memref<!tpu.dma_semaphore, #tpu.memory_space<semaphore_mem>>)
    %scan3A = arith.constant 0 : i32
    %scan3A_57 = arith.constant 0 : i32
    %scan3A_58 = arith.constant 40 : i32
    %scan3A_59 = arith.addi %scan3A_57, %scan3A_58 : i32
    %scan3A_60 = arith.constant 1 : i32
    %scan3A_61 = scf.for %scan3A_63 = %scan3A_57 to %scan3A_59 step %scan3A_60 iter_args(%scan3A_64 = %scan3A) -> (i32)  : i32 {
      %mul3A_65 = arith.constant 5 : i32
      %mul3A_66 = arith.muli %scan3A_63, %mul3A_65 : i32
      %add3A_67 = arith.constant 0 : i32
      %add3A_68 = arith.addi %mul3A_66, %add3A_67 : i32
      %dma_wait3A = arith.constant 0 : i32
      %dma_wait3A_69 = tpu.memref_slice %arg5[%add3A_68, %dma_wait3A] : memref<200x32xi32, #tpu.memory_space<vmem>> -> memref<1x32xi32, #tpu.memory_space<vmem>>
      %dma_wait3A_70 = tpu.memref_squeeze %dma_wait3A_69 : memref<1x32xi32, #tpu.memory_space<vmem>> -> memref<32xi32, #tpu.memory_space<vmem>>
      %dma_wait3A_71 = arith.constant 0 : i32
      %dma_wait3A_72 = arith.constant 0 : i32
      %dma_wait3A_73 = tpu.memref_slice %arg2[%add3A, %dma_wait3A_71, %dma_wait3A_72] : memref<32x80x512xf32, #tpu.memory_space<hbm>> -> memref<1x80x512xf32, #tpu.memory_space<hbm>>
      %dma_wait3A_74 = tpu.memref_squeeze %dma_wait3A_73 : memref<1x80x512xf32, #tpu.memory_space<hbm>> -> memref<80x512xf32, #tpu.memory_space<hbm>>
      %dma_wait3A_75 = arith.constant 0 : i32
      %dma_wait3A_76 = arith.constant 0 : i32
      %dma_wait3A_77 = tpu.memref_slice %dma_wait3A_74[%dma_wait3A_75, %dma_wait3A_76] : memref<80x512xf32, #tpu.memory_space<hbm>> -> memref<80x512xf32, #tpu.memory_space<hbm>>
      tpu.wait_indirect_dma semaphore(%arg11 : memref<!tpu.dma_semaphore, #tpu.memory_space<semaphore_mem>>) src(%dma_wait3A_77 : memref<80x512xf32, #tpu.memory_space<hbm>>) dst(%arg6 : memref<32x512xf32, #tpu.memory_space<vmem>>)
      %mul3A_78 = arith.constant 32 : i32
      %mul3A_79 = arith.muli %add3A_68, %mul3A_78 : i32
      %add3A_80 = arith.addi %mul3A_2, %mul3A_79 : i32
      %dma_start3A_81 = arith.constant 0 : i32
      %dma_start3A_82 = tpu.memref_slice %arg4[%add3A_80, %dma_start3A_81] : memref<204800x512xf32, #tpu.memory_space<hbm>> -> memref<32x512xf32, #tpu.memory_space<hbm>>
      %dma_start3A_83 = arith.constant 0 : i32
      %dma_start3A_84 = tpu.memref_slice %arg4[%add3A_80, %dma_start3A_83] : memref<204800x512xf32, #tpu.memory_space<hbm>> -> memref<32x512xf32, #tpu.memory_space<hbm>>
      tpu.enqueue_dma source(%arg6 : memref<32x512xf32, #tpu.memory_space<vmem>>) target(%dma_start3A_84 : memref<32x512xf32, #tpu.memory_space<hbm>>) target_semaphore(%arg16 : memref<!tpu.dma_semaphore, #tpu.memory_space<semaphore_mem>>)
      %mul3A_85 = arith.constant 5 : i32
      %mul3A_86 = arith.muli %scan3A_63, %mul3A_85 : i32
      %add3A_87 = arith.constant 1 : i32
      %add3A_88 = arith.addi %mul3A_86, %add3A_87 : i32
      %dma_wait3A_89 = arith.constant 0 : i32
      %dma_wait3A_90 = tpu.memref_slice %arg5[%add3A_88, %dma_wait3A_89] : memref<200x32xi32, #tpu.memory_space<vmem>> -> memref<1x32xi32, #tpu.memory_space<vmem>>
      %dma_wait3A_91 = tpu.memref_squeeze %dma_wait3A_90 : memref<1x32xi32, #tpu.memory_space<vmem>> -> memref<32xi32, #tpu.memory_space<vmem>>
      %dma_wait3A_92 = arith.constant 0 : i32
      %dma_wait3A_93 = arith.constant 0 : i32
      %dma_wait3A_94 = tpu.memref_slice %arg2[%add3A, %dma_wait3A_92, %dma_wait3A_93] : memref<32x80x512xf32, #tpu.memory_space<hbm>> -> memref<1x80x512xf32, #tpu.memory_space<hbm>>
      %dma_wait3A_95 = tpu.memref_squeeze %dma_wait3A_94 : memref<1x80x512xf32, #tpu.memory_space<hbm>> -> memref<80x512xf32, #tpu.memory_space<hbm>>
      %dma_wait3A_96 = arith.constant 0 : i32
      %dma_wait3A_97 = arith.constant 0 : i32
      %dma_wait3A_98 = tpu.memref_slice %dma_wait3A_95[%dma_wait3A_96, %dma_wait3A_97] : memref<80x512xf32, #tpu.memory_space<hbm>> -> memref<80x512xf32, #tpu.memory_space<hbm>>
      tpu.wait_indirect_dma semaphore(%arg12 : memref<!tpu.dma_semaphore, #tpu.memory_space<semaphore_mem>>) src(%dma_wait3A_98 : memref<80x512xf32, #tpu.memory_space<hbm>>) dst(%arg7 : memref<32x512xf32, #tpu.memory_space<vmem>>)
      %mul3A_99 = arith.constant 32 : i32
      %mul3A_100 = arith.muli %add3A_88, %mul3A_99 : i32
      %add3A_101 = arith.addi %mul3A_2, %mul3A_100 : i32
      %dma_start3A_102 = arith.constant 0 : i32
      %dma_start3A_103 = tpu.memref_slice %arg4[%add3A_101, %dma_start3A_102] : memref<204800x512xf32, #tpu.memory_space<hbm>> -> memref<32x512xf32, #tpu.memory_space<hbm>>
      %dma_start3A_104 = arith.constant 0 : i32
      %dma_start3A_105 = tpu.memref_slice %arg4[%add3A_101, %dma_start3A_104] : memref<204800x512xf32, #tpu.memory_space<hbm>> -> memref<32x512xf32, #tpu.memory_space<hbm>>
      tpu.enqueue_dma source(%arg7 : memref<32x512xf32, #tpu.memory_space<vmem>>) target(%dma_start3A_105 : memref<32x512xf32, #tpu.memory_space<hbm>>) target_semaphore(%arg17 : memref<!tpu.dma_semaphore, #tpu.memory_space<semaphore_mem>>)
      %mul3A_106 = arith.constant 5 : i32
      %mul3A_107 = arith.muli %scan3A_63, %mul3A_106 : i32
      %add3A_108 = arith.constant 2 : i32
      %add3A_109 = arith.addi %mul3A_107, %add3A_108 : i32
      %dma_wait3A_110 = arith.constant 0 : i32
      %dma_wait3A_111 = tpu.memref_slice %arg5[%add3A_109, %dma_wait3A_110] : memref<200x32xi32, #tpu.memory_space<vmem>> -> memref<1x32xi32, #tpu.memory_space<vmem>>
      %dma_wait3A_112 = tpu.memref_squeeze %dma_wait3A_111 : memref<1x32xi32, #tpu.memory_space<vmem>> -> memref<32xi32, #tpu.memory_space<vmem>>
      %dma_wait3A_113 = arith.constant 0 : i32
      %dma_wait3A_114 = arith.constant 0 : i32
      %dma_wait3A_115 = tpu.memref_slice %arg2[%add3A, %dma_wait3A_113, %dma_wait3A_114] : memref<32x80x512xf32, #tpu.memory_space<hbm>> -> memref<1x80x512xf32, #tpu.memory_space<hbm>>
      %dma_wait3A_116 = tpu.memref_squeeze %dma_wait3A_115 : memref<1x80x512xf32, #tpu.memory_space<hbm>> -> memref<80x512xf32, #tpu.memory_space<hbm>>
      %dma_wait3A_117 = arith.constant 0 : i32
      %dma_wait3A_118 = arith.constant 0 : i32
      %dma_wait3A_119 = tpu.memref_slice %dma_wait3A_116[%dma_wait3A_117, %dma_wait3A_118] : memref<80x512xf32, #tpu.memory_space<hbm>> -> memref<80x512xf32, #tpu.memory_space<hbm>>
      tpu.wait_indirect_dma semaphore(%arg13 : memref<!tpu.dma_semaphore, #tpu.memory_space<semaphore_mem>>) src(%dma_wait3A_119 : memref<80x512xf32, #tpu.memory_space<hbm>>) dst(%arg8 : memref<32x512xf32, #tpu.memory_space<vmem>>)
      %mul3A_120 = arith.constant 32 : i32
      %mul3A_121 = arith.muli %add3A_109, %mul3A_120 : i32
      %add3A_122 = arith.addi %mul3A_2, %mul3A_121 : i32
      %dma_start3A_123 = arith.constant 0 : i32
      %dma_start3A_124 = tpu.memref_slice %arg4[%add3A_122, %dma_start3A_123] : memref<204800x512xf32, #tpu.memory_space<hbm>> -> memref<32x512xf32, #tpu.memory_space<hbm>>
      %dma_start3A_125 = arith.constant 0 : i32
      %dma_start3A_126 = tpu.memref_slice %arg4[%add3A_122, %dma_start3A_125] : memref<204800x512xf32, #tpu.memory_space<hbm>> -> memref<32x512xf32, #tpu.memory_space<hbm>>
      tpu.enqueue_dma source(%arg8 : memref<32x512xf32, #tpu.memory_space<vmem>>) target(%dma_start3A_126 : memref<32x512xf32, #tpu.memory_space<hbm>>) target_semaphore(%arg18 : memref<!tpu.dma_semaphore, #tpu.memory_space<semaphore_mem>>)
      %mul3A_127 = arith.constant 5 : i32
      %mul3A_128 = arith.muli %scan3A_63, %mul3A_127 : i32
      %add3A_129 = arith.constant 3 : i32
      %add3A_130 = arith.addi %mul3A_128, %add3A_129 : i32
      %dma_wait3A_131 = arith.constant 0 : i32
      %dma_wait3A_132 = tpu.memref_slice %arg5[%add3A_130, %dma_wait3A_131] : memref<200x32xi32, #tpu.memory_space<vmem>> -> memref<1x32xi32, #tpu.memory_space<vmem>>
      %dma_wait3A_133 = tpu.memref_squeeze %dma_wait3A_132 : memref<1x32xi32, #tpu.memory_space<vmem>> -> memref<32xi32, #tpu.memory_space<vmem>>
      %dma_wait3A_134 = arith.constant 0 : i32
      %dma_wait3A_135 = arith.constant 0 : i32
      %dma_wait3A_136 = tpu.memref_slice %arg2[%add3A, %dma_wait3A_134, %dma_wait3A_135] : memref<32x80x512xf32, #tpu.memory_space<hbm>> -> memref<1x80x512xf32, #tpu.memory_space<hbm>>
      %dma_wait3A_137 = tpu.memref_squeeze %dma_wait3A_136 : memref<1x80x512xf32, #tpu.memory_space<hbm>> -> memref<80x512xf32, #tpu.memory_space<hbm>>
      %dma_wait3A_138 = arith.constant 0 : i32
      %dma_wait3A_139 = arith.constant 0 : i32
      %dma_wait3A_140 = tpu.memref_slice %dma_wait3A_137[%dma_wait3A_138, %dma_wait3A_139] : memref<80x512xf32, #tpu.memory_space<hbm>> -> memref<80x512xf32, #tpu.memory_space<hbm>>
      tpu.wait_indirect_dma semaphore(%arg14 : memref<!tpu.dma_semaphore, #tpu.memory_space<semaphore_mem>>) src(%dma_wait3A_140 : memref<80x512xf32, #tpu.memory_space<hbm>>) dst(%arg9 : memref<32x512xf32, #tpu.memory_space<vmem>>)
      %mul3A_141 = arith.constant 32 : i32
      %mul3A_142 = arith.muli %add3A_130, %mul3A_141 : i32
      %add3A_143 = arith.addi %mul3A_2, %mul3A_142 : i32
      %dma_start3A_144 = arith.constant 0 : i32
      %dma_start3A_145 = tpu.memref_slice %arg4[%add3A_143, %dma_start3A_144] : memref<204800x512xf32, #tpu.memory_space<hbm>> -> memref<32x512xf32, #tpu.memory_space<hbm>>
      %dma_start3A_146 = arith.constant 0 : i32
      %dma_start3A_147 = tpu.memref_slice %arg4[%add3A_143, %dma_start3A_146] : memref<204800x512xf32, #tpu.memory_space<hbm>> -> memref<32x512xf32, #tpu.memory_space<hbm>>
      tpu.enqueue_dma source(%arg9 : memref<32x512xf32, #tpu.memory_space<vmem>>) target(%dma_start3A_147 : memref<32x512xf32, #tpu.memory_space<hbm>>) target_semaphore(%arg19 : memref<!tpu.dma_semaphore, #tpu.memory_space<semaphore_mem>>)
      %mul3A_148 = arith.constant 5 : i32
      %mul3A_149 = arith.muli %scan3A_63, %mul3A_148 : i32
      %add3A_150 = arith.constant 4 : i32
      %add3A_151 = arith.addi %mul3A_149, %add3A_150 : i32
      %dma_wait3A_152 = arith.constant 0 : i32
      %dma_wait3A_153 = tpu.memref_slice %arg5[%add3A_151, %dma_wait3A_152] : memref<200x32xi32, #tpu.memory_space<vmem>> -> memref<1x32xi32, #tpu.memory_space<vmem>>
      %dma_wait3A_154 = tpu.memref_squeeze %dma_wait3A_153 : memref<1x32xi32, #tpu.memory_space<vmem>> -> memref<32xi32, #tpu.memory_space<vmem>>
      %dma_wait3A_155 = arith.constant 0 : i32
      %dma_wait3A_156 = arith.constant 0 : i32
      %dma_wait3A_157 = tpu.memref_slice %arg2[%add3A, %dma_wait3A_155, %dma_wait3A_156] : memref<32x80x512xf32, #tpu.memory_space<hbm>> -> memref<1x80x512xf32, #tpu.memory_space<hbm>>
      %dma_wait3A_158 = tpu.memref_squeeze %dma_wait3A_157 : memref<1x80x512xf32, #tpu.memory_space<hbm>> -> memref<80x512xf32, #tpu.memory_space<hbm>>
      %dma_wait3A_159 = arith.constant 0 : i32
      %dma_wait3A_160 = arith.constant 0 : i32
      %dma_wait3A_161 = tpu.memref_slice %dma_wait3A_158[%dma_wait3A_159, %dma_wait3A_160] : memref<80x512xf32, #tpu.memory_space<hbm>> -> memref<80x512xf32, #tpu.memory_space<hbm>>
      tpu.wait_indirect_dma semaphore(%arg15 : memref<!tpu.dma_semaphore, #tpu.memory_space<semaphore_mem>>) src(%dma_wait3A_161 : memref<80x512xf32, #tpu.memory_space<hbm>>) dst(%arg10 : memref<32x512xf32, #tpu.memory_space<vmem>>)
      %mul3A_162 = arith.constant 32 : i32
      %mul3A_163 = arith.muli %add3A_151, %mul3A_162 : i32
      %add3A_164 = arith.addi %mul3A_2, %mul3A_163 : i32
      %dma_start3A_165 = arith.constant 0 : i32
      %dma_start3A_166 = tpu.memref_slice %arg4[%add3A_164, %dma_start3A_165] : memref<204800x512xf32, #tpu.memory_space<hbm>> -> memref<32x512xf32, #tpu.memory_space<hbm>>
      %dma_start3A_167 = arith.constant 0 : i32
      %dma_start3A_168 = tpu.memref_slice %arg4[%add3A_164, %dma_start3A_167] : memref<204800x512xf32, #tpu.memory_space<hbm>> -> memref<32x512xf32, #tpu.memory_space<hbm>>
      tpu.enqueue_dma source(%arg10 : memref<32x512xf32, #tpu.memory_space<vmem>>) target(%dma_start3A_168 : memref<32x512xf32, #tpu.memory_space<hbm>>) target_semaphore(%arg20 : memref<!tpu.dma_semaphore, #tpu.memory_space<semaphore_mem>>)
      %mul3A_169 = arith.constant 5 : i32
      %mul3A_170 = arith.muli %scan3A_63, %mul3A_169 : i32
      %add3A_171 = arith.constant 0 : i32
      %add3A_172 = arith.addi %mul3A_170, %add3A_171 : i32
      %mul3A_173 = arith.constant 32 : i32
      %mul3A_174 = arith.muli %add3A_172, %mul3A_173 : i32
      %add3A_175 = arith.addi %mul3A_2, %mul3A_174 : i32
      %dma_wait3A_176 = arith.constant 0 : i32
      %dma_wait3A_177 = tpu.memref_slice %arg4[%add3A_175, %dma_wait3A_176] : memref<204800x512xf32, #tpu.memory_space<hbm>> -> memref<32x512xf32, #tpu.memory_space<hbm>>
      %dma_wait3A_178 = arith.constant 0 : i32
      %dma_wait3A_179 = tpu.memref_slice %arg4[%add3A_175, %dma_wait3A_178] : memref<204800x512xf32, #tpu.memory_space<hbm>> -> memref<32x512xf32, #tpu.memory_space<hbm>>
      tpu.wait_dma2 semaphore(%arg16 : memref<!tpu.dma_semaphore, #tpu.memory_space<semaphore_mem>>) src(%arg6 : memref<32x512xf32, #tpu.memory_space<vmem>>) dst(%dma_wait3A_179 : memref<32x512xf32, #tpu.memory_space<hbm>>)
      %add3A_180 = arith.constant 5 : i32
      %add3A_181 = arith.addi %add3A_172, %add3A_180 : i32
      %lt3A = arith.constant 200 : i32
      %lt3A_182 = arith.cmpi slt, %add3A_181, %lt3A : i32
      %convert_element_type3A = arith.extui %lt3A_182 : i1 to i32
      %cond3A = arith.constant 0 : i32
      %cond3A_183 = arith.cmpi ne, %convert_element_type3A, %cond3A : i32
      scf.if %cond3A_183 {
        %add3A_257 = arith.constant 5 : i32
        %add3A_258 = arith.addi %add3A_172, %add3A_257 : i32
        %dma_start3A_259 = arith.constant 0 : i32
        %dma_start3A_260 = tpu.memref_slice %arg5[%add3A_258, %dma_start3A_259] : memref<200x32xi32, #tpu.memory_space<vmem>> -> memref<1x32xi32, #tpu.memory_space<vmem>>
        %dma_start3A_261 = tpu.memref_squeeze %dma_start3A_260 : memref<1x32xi32, #tpu.memory_space<vmem>> -> memref<32xi32, #tpu.memory_space<vmem>>
        %dma_start3A_262 = arith.constant 0 : i32
        %dma_start3A_263 = arith.constant 0 : i32
        %dma_start3A_264 = tpu.memref_slice %arg2[%add3A, %dma_start3A_262, %dma_start3A_263] : memref<32x80x512xf32, #tpu.memory_space<hbm>> -> memref<1x80x512xf32, #tpu.memory_space<hbm>>
        %dma_start3A_265 = tpu.memref_squeeze %dma_start3A_264 : memref<1x80x512xf32, #tpu.memory_space<hbm>> -> memref<80x512xf32, #tpu.memory_space<hbm>>
        %dma_start3A_266 = arith.constant 0 : i32
        %dma_start3A_267 = arith.constant 0 : i32
        %dma_start3A_268 = tpu.memref_slice %dma_start3A_265[%dma_start3A_266, %dma_start3A_267] : memref<80x512xf32, #tpu.memory_space<hbm>> -> memref<80x512xf32, #tpu.memory_space<hbm>>
        tpu.enqueue_indirect_dma source(%dma_start3A_268 : memref<80x512xf32, #tpu.memory_space<hbm>>) target(%arg6 : memref<32x512xf32, #tpu.memory_space<vmem>>) offsets(%dma_start3A_261 : memref<32xi32, #tpu.memory_space<vmem>>) semaphore(%arg11 : memref<!tpu.dma_semaphore, #tpu.memory_space<semaphore_mem>>)
      } else {
      }
      %mul3A_184 = arith.constant 5 : i32
      %mul3A_185 = arith.muli %scan3A_63, %mul3A_184 : i32
      %add3A_186 = arith.constant 1 : i32
      %add3A_187 = arith.addi %mul3A_185, %add3A_186 : i32
      %mul3A_188 = arith.constant 32 : i32
      %mul3A_189 = arith.muli %add3A_187, %mul3A_188 : i32
      %add3A_190 = arith.addi %mul3A_2, %mul3A_189 : i32
      %dma_wait3A_191 = arith.constant 0 : i32
      %dma_wait3A_192 = tpu.memref_slice %arg4[%add3A_190, %dma_wait3A_191] : memref<204800x512xf32, #tpu.memory_space<hbm>> -> memref<32x512xf32, #tpu.memory_space<hbm>>
      %dma_wait3A_193 = arith.constant 0 : i32
      %dma_wait3A_194 = tpu.memref_slice %arg4[%add3A_190, %dma_wait3A_193] : memref<204800x512xf32, #tpu.memory_space<hbm>> -> memref<32x512xf32, #tpu.memory_space<hbm>>
      tpu.wait_dma2 semaphore(%arg17 : memref<!tpu.dma_semaphore, #tpu.memory_space<semaphore_mem>>) src(%arg7 : memref<32x512xf32, #tpu.memory_space<vmem>>) dst(%dma_wait3A_194 : memref<32x512xf32, #tpu.memory_space<hbm>>)
      %add3A_195 = arith.constant 5 : i32
      %add3A_196 = arith.addi %add3A_187, %add3A_195 : i32
      %lt3A_197 = arith.constant 200 : i32
      %lt3A_198 = arith.cmpi slt, %add3A_196, %lt3A_197 : i32
      %convert_element_type3A_199 = arith.extui %lt3A_198 : i1 to i32
      %cond3A_200 = arith.constant 0 : i32
      %cond3A_201 = arith.cmpi ne, %convert_element_type3A_199, %cond3A_200 : i32
      scf.if %cond3A_201 {
        %add3A_257 = arith.constant 5 : i32
        %add3A_258 = arith.addi %add3A_187, %add3A_257 : i32
        %dma_start3A_259 = arith.constant 0 : i32
        %dma_start3A_260 = tpu.memref_slice %arg5[%add3A_258, %dma_start3A_259] : memref<200x32xi32, #tpu.memory_space<vmem>> -> memref<1x32xi32, #tpu.memory_space<vmem>>
        %dma_start3A_261 = tpu.memref_squeeze %dma_start3A_260 : memref<1x32xi32, #tpu.memory_space<vmem>> -> memref<32xi32, #tpu.memory_space<vmem>>
        %dma_start3A_262 = arith.constant 0 : i32
        %dma_start3A_263 = arith.constant 0 : i32
        %dma_start3A_264 = tpu.memref_slice %arg2[%add3A, %dma_start3A_262, %dma_start3A_263] : memref<32x80x512xf32, #tpu.memory_space<hbm>> -> memref<1x80x512xf32, #tpu.memory_space<hbm>>
        %dma_start3A_265 = tpu.memref_squeeze %dma_start3A_264 : memref<1x80x512xf32, #tpu.memory_space<hbm>> -> memref<80x512xf32, #tpu.memory_space<hbm>>
        %dma_start3A_266 = arith.constant 0 : i32
        %dma_start3A_267 = arith.constant 0 : i32
        %dma_start3A_268 = tpu.memref_slice %dma_start3A_265[%dma_start3A_266, %dma_start3A_267] : memref<80x512xf32, #tpu.memory_space<hbm>> -> memref<80x512xf32, #tpu.memory_space<hbm>>
        tpu.enqueue_indirect_dma source(%dma_start3A_268 : memref<80x512xf32, #tpu.memory_space<hbm>>) target(%arg7 : memref<32x512xf32, #tpu.memory_space<vmem>>) offsets(%dma_start3A_261 : memref<32xi32, #tpu.memory_space<vmem>>) semaphore(%arg12 : memref<!tpu.dma_semaphore, #tpu.memory_space<semaphore_mem>>)
      } else {
      }
      %mul3A_202 = arith.constant 5 : i32
      %mul3A_203 = arith.muli %scan3A_63, %mul3A_202 : i32
      %add3A_204 = arith.constant 2 : i32
      %add3A_205 = arith.addi %mul3A_203, %add3A_204 : i32
      %mul3A_206 = arith.constant 32 : i32
      %mul3A_207 = arith.muli %add3A_205, %mul3A_206 : i32
      %add3A_208 = arith.addi %mul3A_2, %mul3A_207 : i32
      %dma_wait3A_209 = arith.constant 0 : i32
      %dma_wait3A_210 = tpu.memref_slice %arg4[%add3A_208, %dma_wait3A_209] : memref<204800x512xf32, #tpu.memory_space<hbm>> -> memref<32x512xf32, #tpu.memory_space<hbm>>
      %dma_wait3A_211 = arith.constant 0 : i32
      %dma_wait3A_212 = tpu.memref_slice %arg4[%add3A_208, %dma_wait3A_211] : memref<204800x512xf32, #tpu.memory_space<hbm>> -> memref<32x512xf32, #tpu.memory_space<hbm>>
      tpu.wait_dma2 semaphore(%arg18 : memref<!tpu.dma_semaphore, #tpu.memory_space<semaphore_mem>>) src(%arg8 : memref<32x512xf32, #tpu.memory_space<vmem>>) dst(%dma_wait3A_212 : memref<32x512xf32, #tpu.memory_space<hbm>>)
      %add3A_213 = arith.constant 5 : i32
      %add3A_214 = arith.addi %add3A_205, %add3A_213 : i32
      %lt3A_215 = arith.constant 200 : i32
      %lt3A_216 = arith.cmpi slt, %add3A_214, %lt3A_215 : i32
      %convert_element_type3A_217 = arith.extui %lt3A_216 : i1 to i32
      %cond3A_218 = arith.constant 0 : i32
      %cond3A_219 = arith.cmpi ne, %convert_element_type3A_217, %cond3A_218 : i32
      scf.if %cond3A_219 {
        %add3A_257 = arith.constant 5 : i32
        %add3A_258 = arith.addi %add3A_205, %add3A_257 : i32
        %dma_start3A_259 = arith.constant 0 : i32
        %dma_start3A_260 = tpu.memref_slice %arg5[%add3A_258, %dma_start3A_259] : memref<200x32xi32, #tpu.memory_space<vmem>> -> memref<1x32xi32, #tpu.memory_space<vmem>>
        %dma_start3A_261 = tpu.memref_squeeze %dma_start3A_260 : memref<1x32xi32, #tpu.memory_space<vmem>> -> memref<32xi32, #tpu.memory_space<vmem>>
        %dma_start3A_262 = arith.constant 0 : i32
        %dma_start3A_263 = arith.constant 0 : i32
        %dma_start3A_264 = tpu.memref_slice %arg2[%add3A, %dma_start3A_262, %dma_start3A_263] : memref<32x80x512xf32, #tpu.memory_space<hbm>> -> memref<1x80x512xf32, #tpu.memory_space<hbm>>
        %dma_start3A_265 = tpu.memref_squeeze %dma_start3A_264 : memref<1x80x512xf32, #tpu.memory_space<hbm>> -> memref<80x512xf32, #tpu.memory_space<hbm>>
        %dma_start3A_266 = arith.constant 0 : i32
        %dma_start3A_267 = arith.constant 0 : i32
        %dma_start3A_268 = tpu.memref_slice %dma_start3A_265[%dma_start3A_266, %dma_start3A_267] : memref<80x512xf32, #tpu.memory_space<hbm>> -> memref<80x512xf32, #tpu.memory_space<hbm>>
        tpu.enqueue_indirect_dma source(%dma_start3A_268 : memref<80x512xf32, #tpu.memory_space<hbm>>) target(%arg8 : memref<32x512xf32, #tpu.memory_space<vmem>>) offsets(%dma_start3A_261 : memref<32xi32, #tpu.memory_space<vmem>>) semaphore(%arg13 : memref<!tpu.dma_semaphore, #tpu.memory_space<semaphore_mem>>)
      } else {
      }
      %mul3A_220 = arith.constant 5 : i32
      %mul3A_221 = arith.muli %scan3A_63, %mul3A_220 : i32
      %add3A_222 = arith.constant 3 : i32
      %add3A_223 = arith.addi %mul3A_221, %add3A_222 : i32
      %mul3A_224 = arith.constant 32 : i32
      %mul3A_225 = arith.muli %add3A_223, %mul3A_224 : i32
      %add3A_226 = arith.addi %mul3A_2, %mul3A_225 : i32
      %dma_wait3A_227 = arith.constant 0 : i32
      %dma_wait3A_228 = tpu.memref_slice %arg4[%add3A_226, %dma_wait3A_227] : memref<204800x512xf32, #tpu.memory_space<hbm>> -> memref<32x512xf32, #tpu.memory_space<hbm>>
      %dma_wait3A_229 = arith.constant 0 : i32
      %dma_wait3A_230 = tpu.memref_slice %arg4[%add3A_226, %dma_wait3A_229] : memref<204800x512xf32, #tpu.memory_space<hbm>> -> memref<32x512xf32, #tpu.memory_space<hbm>>
      tpu.wait_dma2 semaphore(%arg19 : memref<!tpu.dma_semaphore, #tpu.memory_space<semaphore_mem>>) src(%arg9 : memref<32x512xf32, #tpu.memory_space<vmem>>) dst(%dma_wait3A_230 : memref<32x512xf32, #tpu.memory_space<hbm>>)
      %add3A_231 = arith.constant 5 : i32
      %add3A_232 = arith.addi %add3A_223, %add3A_231 : i32
      %lt3A_233 = arith.constant 200 : i32
      %lt3A_234 = arith.cmpi slt, %add3A_232, %lt3A_233 : i32
      %convert_element_type3A_235 = arith.extui %lt3A_234 : i1 to i32
      %cond3A_236 = arith.constant 0 : i32
      %cond3A_237 = arith.cmpi ne, %convert_element_type3A_235, %cond3A_236 : i32
      scf.if %cond3A_237 {
        %add3A_257 = arith.constant 5 : i32
        %add3A_258 = arith.addi %add3A_223, %add3A_257 : i32
        %dma_start3A_259 = arith.constant 0 : i32
        %dma_start3A_260 = tpu.memref_slice %arg5[%add3A_258, %dma_start3A_259] : memref<200x32xi32, #tpu.memory_space<vmem>> -> memref<1x32xi32, #tpu.memory_space<vmem>>
        %dma_start3A_261 = tpu.memref_squeeze %dma_start3A_260 : memref<1x32xi32, #tpu.memory_space<vmem>> -> memref<32xi32, #tpu.memory_space<vmem>>
        %dma_start3A_262 = arith.constant 0 : i32
        %dma_start3A_263 = arith.constant 0 : i32
        %dma_start3A_264 = tpu.memref_slice %arg2[%add3A, %dma_start3A_262, %dma_start3A_263] : memref<32x80x512xf32, #tpu.memory_space<hbm>> -> memref<1x80x512xf32, #tpu.memory_space<hbm>>
        %dma_start3A_265 = tpu.memref_squeeze %dma_start3A_264 : memref<1x80x512xf32, #tpu.memory_space<hbm>> -> memref<80x512xf32, #tpu.memory_space<hbm>>
        %dma_start3A_266 = arith.constant 0 : i32
        %dma_start3A_267 = arith.constant 0 : i32
        %dma_start3A_268 = tpu.memref_slice %dma_start3A_265[%dma_start3A_266, %dma_start3A_267] : memref<80x512xf32, #tpu.memory_space<hbm>> -> memref<80x512xf32, #tpu.memory_space<hbm>>
        tpu.enqueue_indirect_dma source(%dma_start3A_268 : memref<80x512xf32, #tpu.memory_space<hbm>>) target(%arg9 : memref<32x512xf32, #tpu.memory_space<vmem>>) offsets(%dma_start3A_261 : memref<32xi32, #tpu.memory_space<vmem>>) semaphore(%arg14 : memref<!tpu.dma_semaphore, #tpu.memory_space<semaphore_mem>>)
      } else {
      }
      %mul3A_238 = arith.constant 5 : i32
      %mul3A_239 = arith.muli %scan3A_63, %mul3A_238 : i32
      %add3A_240 = arith.constant 4 : i32
      %add3A_241 = arith.addi %mul3A_239, %add3A_240 : i32
      %mul3A_242 = arith.constant 32 : i32
      %mul3A_243 = arith.muli %add3A_241, %mul3A_242 : i32
      %add3A_244 = arith.addi %mul3A_2, %mul3A_243 : i32
      %dma_wait3A_245 = arith.constant 0 : i32
      %dma_wait3A_246 = tpu.memref_slice %arg4[%add3A_244, %dma_wait3A_245] : memref<204800x512xf32, #tpu.memory_space<hbm>> -> memref<32x512xf32, #tpu.memory_space<hbm>>
      %dma_wait3A_247 = arith.constant 0 : i32
      %dma_wait3A_248 = tpu.memref_slice %arg4[%add3A_244, %dma_wait3A_247] : memref<204800x512xf32, #tpu.memory_space<hbm>> -> memref<32x512xf32, #tpu.memory_space<hbm>>
      tpu.wait_dma2 semaphore(%arg20 : memref<!tpu.dma_semaphore, #tpu.memory_space<semaphore_mem>>) src(%arg10 : memref<32x512xf32, #tpu.memory_space<vmem>>) dst(%dma_wait3A_248 : memref<32x512xf32, #tpu.memory_space<hbm>>)
      %add3A_249 = arith.constant 5 : i32
      %add3A_250 = arith.addi %add3A_241, %add3A_249 : i32
      %lt3A_251 = arith.constant 200 : i32
      %lt3A_252 = arith.cmpi slt, %add3A_250, %lt3A_251 : i32
      %convert_element_type3A_253 = arith.extui %lt3A_252 : i1 to i32
      %cond3A_254 = arith.constant 0 : i32
      %cond3A_255 = arith.cmpi ne, %convert_element_type3A_253, %cond3A_254 : i32
      scf.if %cond3A_255 {
        %add3A_257 = arith.constant 5 : i32
        %add3A_258 = arith.addi %add3A_241, %add3A_257 : i32
        %dma_start3A_259 = arith.constant 0 : i32
        %dma_start3A_260 = tpu.memref_slice %arg5[%add3A_258, %dma_start3A_259] : memref<200x32xi32, #tpu.memory_space<vmem>> -> memref<1x32xi32, #tpu.memory_space<vmem>>
        %dma_start3A_261 = tpu.memref_squeeze %dma_start3A_260 : memref<1x32xi32, #tpu.memory_space<vmem>> -> memref<32xi32, #tpu.memory_space<vmem>>
        %dma_start3A_262 = arith.constant 0 : i32
        %dma_start3A_263 = arith.constant 0 : i32
        %dma_start3A_264 = tpu.memref_slice %arg2[%add3A, %dma_start3A_262, %dma_start3A_263] : memref<32x80x512xf32, #tpu.memory_space<hbm>> -> memref<1x80x512xf32, #tpu.memory_space<hbm>>
        %dma_start3A_265 = tpu.memref_squeeze %dma_start3A_264 : memref<1x80x512xf32, #tpu.memory_space<hbm>> -> memref<80x512xf32, #tpu.memory_space<hbm>>
        %dma_start3A_266 = arith.constant 0 : i32
        %dma_start3A_267 = arith.constant 0 : i32
        %dma_start3A_268 = tpu.memref_slice %dma_start3A_265[%dma_start3A_266, %dma_start3A_267] : memref<80x512xf32, #tpu.memory_space<hbm>> -> memref<80x512xf32, #tpu.memory_space<hbm>>
        tpu.enqueue_indirect_dma source(%dma_start3A_268 : memref<80x512xf32, #tpu.memory_space<hbm>>) target(%arg10 : memref<32x512xf32, #tpu.memory_space<vmem>>) offsets(%dma_start3A_261 : memref<32xi32, #tpu.memory_space<vmem>>) semaphore(%arg15 : memref<!tpu.dma_semaphore, #tpu.memory_space<semaphore_mem>>)
      } else {
      }
      %scan3A_256 = arith.constant 0 : i32
      scf.yield %scan3A_256 : i32
    }
    %scan3A_62 = arith.constant 40 : i32
    return
  }
}

module attributes {stable_mosaic.version = 14 : i64} {
  func.func @_table_body(%arg0: i32, %arg1: memref<80x256xf32, #tpu.memory_space<vmem>>, %arg2: memref<512x256xf32, #tpu.memory_space<vmem>>, %arg3: memref<1x512xf32, #tpu.memory_space<vmem>>, %arg4: memref<1x80x512xf32, #tpu.memory_space<vmem>>) attributes {dimension_semantics = [#tpu.dimension_semantics<arbitrary>], iteration_bounds = array<i64: 32>, scalar_prefetch = 0 : i64, scratch_operands = 0 : i64, tpu.core_type = #tpu.core_type<tc>, window_params = [{pipeline_mode = #tpu.pipeline_mode<synchronous>, transform_indices = @transform_0, window_bounds = array<i64: 80, 256>}, {pipeline_mode = #tpu.pipeline_mode<synchronous>, transform_indices = @transform_1, window_bounds = array<i64: 512, 256>}, {pipeline_mode = #tpu.pipeline_mode<synchronous>, transform_indices = @transform_2, window_bounds = array<i64: 1, 512>}, {transform_indices = @transform_3, window_bounds = array<i64: 1, 80, 512>}]} {
    %get3A = arith.constant 0 : index
    %get3A_0 = arith.constant 0 : index
    %get3A_1 = vector.load %arg1[%get3A, %get3A_0] : memref<80x256xf32, #tpu.memory_space<vmem>>, vector<80x256xf32>
    %get3A_2 = arith.constant 0 : index
    %get3A_3 = arith.constant 0 : index
    %get3A_4 = vector.load %arg2[%get3A_2, %get3A_3] : memref<512x256xf32, #tpu.memory_space<vmem>>, vector<512x256xf32>
    %dot_general3A = arith.constant dense<0.000000e+00> : vector<80x512xf32>
    %dot_general3A_5 = tpu.matmul %get3A_1, %get3A_4, %dot_general3A {dimension_numbers = #tpu.dot_dimension_numbers<[1], [1], [0], [0], [0, 0, 1, 0], [], []>, transpose_lhs_hint = false} : vector<80x256xf32>, vector<512x256xf32>, vector<80x512xf32> -> vector<80x512xf32>
    %get3A_6 = arith.constant 0 : index
    %get3A_7 = arith.constant 0 : index
    %get3A_8 = vector.load %arg3[%get3A_6, %get3A_7] : memref<1x512xf32, #tpu.memory_space<vmem>>, vector<1x512xf32>
    %add3A = vector.broadcast %get3A_8 : vector<1x512xf32> to vector<80x512xf32>
    %add3A_9 = arith.addf %dot_general3A_5, %add3A : vector<80x512xf32>
    %swap3A = arith.constant 0 : index
    %swap3A_10 = arith.constant 0 : index
    %swap3A_11 = arith.constant 0 : index
    %swap3A_12 = vector.load %arg4[%swap3A, %swap3A_10, %swap3A_11] : memref<1x80x512xf32, #tpu.memory_space<vmem>>, vector<1x80x512xf32>
    %swap3A_13 = vector.shape_cast %swap3A_12 : vector<1x80x512xf32> to vector<80x512xf32>
    %swap3A_14 = vector.shape_cast %add3A_9 : vector<80x512xf32> to vector<1x80x512xf32>
    tpu.vector_store %arg4[%swap3A, %swap3A_10, %swap3A_11], %swap3A_14 {strides = array<i32>} : memref<1x80x512xf32, #tpu.memory_space<vmem>>, vector<1x80x512xf32>,
    return
  }
  func.func @transform_0(%arg0: i32) -> (i32, i32) {
    %c0_i32 = arith.constant 0 : i32
    %c0_i32_0 = arith.constant 0 : i32
    %c0_i32_1 = arith.constant 0 : i32
    return %c0_i32, %c0_i32_0 : i32, i32
  }
  func.func @transform_1(%arg0: i32) -> (i32, i32) {
    %c0_i32 = arith.constant 0 : i32
    %c0_i32_0 = arith.constant 0 : i32
    %c0_i32_1 = arith.constant 0 : i32
    return %c0_i32, %c0_i32_0 : i32, i32
  }
  func.func @transform_2(%arg0: i32) -> (i32, i32) {
    %c0_i32 = arith.constant 0 : i32
    %c0_i32_0 = arith.constant 0 : i32
    %c0_i32_1 = arith.constant 0 : i32
    return %c0_i32, %c0_i32_0 : i32, i32
  }
  func.func @transform_3(%arg0: i32) -> (i32, i32, i32) {
    %c0_i32 = arith.constant 0 : i32
    %c0_i32_0 = arith.constant 0 : i32
    %c0_i32_1 = arith.constant 0 : i32
    return %arg0, %c0_i32, %c0_i32_0 : i32, i32, i32
  }
}

</mosaic_0001>

<sc_bundles>
// kernel: kernel.4.cloned.1.call-start
scs
__scs_entry_jumppad:
0x0: {  	(pc) =	sbr.rel $0x88, $3  }
0x1: {  	(tag) =	ssettag $0x0;
	lr =	simm.s32 $0x1  }
0x2: {  	[smem:$0x3F9D] =	sst lr;
	_ =	strace $0xD0000000  }
0x3: {  	_ = 	snop  }
0x4: {  	_ = 	snop  }
0x5: {  	_ = 	snop  }
0x6: {  	_ = 	snop  }
0x7: {  	_ = 	snop  }
__scs_overlays_trampoline_lowered:
0x8: {  	[smem:$0x3FAC] =	sst s0  }
0x9: {  	[smem:$0x3FAD] =	sst s1  }
0xa: {  	[smem:$0x3FAE] =	sst s2  }
0xb: {  	[smem:$0x3FAF] =	sst s3  }
0xc: {  	[smem:$0x3FB0] =	sst s4  }
0xd: {  	[smem:$0x3FB1] =	sst s5  }
0xe: {  	[smem:$0x3FB2] =	sst s6  }
0xf: {  	[smem:$0x3FB3] =	sst s7  }
0x10: {  	[smem:$0x3FB4] =	sst s8  }
0x11: {  	[smem:$0x3FB5] =	sst s9;
	s0 =	simm.s32 @!p0 $0x0  }
0x12: {  	s1 =	sld [smem:$0x3F9B];
	s0 =	simm.s32 @p0 $0x1  }
0x13: {  	[smem:$0x3FB6] =	sst s0;
	s0 =	simm.s32 @!p1 $0x0  }
0x14: {  	s2 =	sld [smem:$0x3F9A];
	s0 =	simm.s32 @p1 $0x1  }
0x15: {  	[smem:$0x3FB7] =	sst s0;
	s0 =	simm.s32 @!p2 $0x0  }
0x16: {  	s3 =	sld [smem:$0x3FDB];
	s0 =	simm.s32 @p2 $0x1  }
0x17: {  	s4 =	simm.s32 $0x1BF5;
	[smem:$0x3FB9] =	sst s0  }
0x18: {  	s0 =	sld [smem:$0x3F9C];
	_ =	swait.ge [sflag:s4], $0x0  }
0x19: {  	s7 =	sld [smem:$0x3F9D]  }
0x1a: {  	s8 =	sadd.s32 $0xFFFFE003, lr  }
0x1b: {  	s9 =	sadd.s32 $0xFFFFFEF7, lr;
	s5 =	simm.s32 $0xFFFFFFFF;
	p2 =	slt.u32 s8, $0xFFFFF086  }
0x1c: {  	p1 =	slt.u32 s9, $0xF7A;
	s5 =	simm.s32 @!p2 $0x0  }
0x1d: {  	s5 =	simm.s32 @p1 $0x1;
	p0 =	seq.s32 s7, s2  }
0x1e: {  	s7 =	smul.u32 @!p0 $0xF7A, s2;
	p2 =	seq.s32 @!p0 s5, $0x0  }
0x1f: {  	s9 =	smul.u32 $0xF7A, s1;
	s8 =	simm.s32 @!p0 $0x1BF5;
	p2 =	por !p2, p0  }
0x20: {  	[sflag:s8] =	ssyncset.s32 @!p0 $0xFFFFF086;
	s6 =	sadd.s32 @!p0 s3, s7;
	s7 =	simm.s32 @!p0 $0x108  }
0x21: {  	s3 =	sadd.s32 s3, s9;
	s6 =	sadd.s32 @!p0 $0x88, s6;
	s7 =	simm.s32 @p2 $0x1082  }
0x22: {  	[simem:s7], [sflag:s8] =	dma.local @!p0 [hbm:s6], $0xF7A  }
0x23: {  	s9 =	sor.u32 $0xD0000000, s2;
	s6 =	simm.s32 $0x108;
	_ =	swait.ge @!p0 [sflag:s8], $0x0  }
0x24: {  	s3 =	sadd.s32 $0x88, s3;
	s6 =	simm.s32 @!p1 $0x1082;
	[sflag:s4] =	ssyncset.s32 $0xFFFFF086  }
0x25: {  	[simem:s6], [sflag:s4] =	dma.local [hbm:s3], $0xF7A  }
0x26: {  	[smem:$0x3F9D] =	sst s1;
	(tag) =	ssettag s2;
	_ =	strace s9  }
0x27: {  	s1 =	sld [smem:$0x3FAD]  }
0x28: {  	s2 =	sld [smem:$0x3FAE]  }
0x29: {  	s4 =	sld [smem:$0x3FB0]  }
0x2a: {  	p0 =	seq.s32 s5, $0x0;
	s5 =	sld [smem:$0x3FB1]  }
0x2b: {  	s6 =	sld [smem:$0x3FB2]  }
0x2c: {  	s7 =	sld [smem:$0x3FB3]  }
0x2d: {  	s3 =	simm.s32 $0x108;
	s8 =	sld [smem:$0x3FB4]  }
0x2e: {  	s3 =	simm.s32 @!p0 $0x1082;
	s9 =	sld [smem:$0x3FB5]  }
0x2f: {  	lr =	sadd.s32 s0, s3;
	s0 =	sld [smem:$0x3FAC]  }
0x30: {  	s3 =	sld [smem:$0x3FAF]  }
0x31: {  	[smem:$0x3FB8] =	sst s10  }
0x32: {  	s10 =	sld [smem:$0x3FB6];
	_ =	sdelay $0x3  }
0x33: {  	p0 =	seq.s32 s10, $0x1;
	s10 =	sld [smem:$0x3FB8];
	_ =	sdelay $0x3  }
0x34: {  	[smem:$0x3FB8] =	sst s10  }
0x35: {  	s10 =	sld [smem:$0x3FB7];
	_ =	sdelay $0x3  }
0x36: {  	p1 =	seq.s32 s10, $0x1;
	s10 =	sld [smem:$0x3FB8];
	_ =	sdelay $0x3  }
0x37: {  	[smem:$0x3FB8] =	sst s10  }
0x38: {  	s10 =	sld [smem:$0x3FB9]  }
0x39: {  	_ = 	snop;
	(pc) =	sbr.ind lr, $3  }
0x3a: {  	_ = 	snop  }
0x3b: {  	_ = 	snop  }
0x3c: {  	p2 =	seq.s32 s10, $0x1;
	s10 =	sld [smem:$0x3FB8]  }
0x3d: {  	_ =	shalt  }
0x3e: {  	_ =	shalt  }
0x3f: {  	_ =	shalt  }
0x40: {  	_ =	shalt  }
0x41: {  	_ =	shalt  }
0x42: {  	_ =	shalt  }
0x43: {  	_ =	shalt  }
0x44: {  	_ =	shalt  }
0x45: {  	_ =	shalt  }
0x46: {  	_ =	shalt  }
0x47: {  	_ =	shalt  }
0x48: {  	_ =	shalt  }
0x49: {  	_ =	shalt  }
0x4a: {  	_ =	shalt  }
0x4b: {  	_ =	shalt  }
0x4c: {  	_ =	shalt  }
0x4d: {  	_ =	shalt  }
0x4e: {  	_ =	shalt  }
0x4f: {  	_ =	shalt  }
0x50: {  	_ =	shalt  }
0x51: {  	_ =	shalt  }
0x52: {  	_ =	shalt  }
0x53: {  	_ =	shalt  }
0x54: {  	_ =	shalt  }
0x55: {  	_ =	shalt  }
0x56: {  	_ =	shalt  }
0x57: {  	_ =	shalt  }
0x58: {  	_ =	shalt  }
0x59: {  	_ =	shalt  }
0x5a: {  	_ =	shalt  }
0x5b: {  	_ =	shalt  }
0x5c: {  	_ =	shalt  }
0x5d: {  	_ =	shalt  }
0x5e: {  	_ =	shalt  }
0x5f: {  	_ =	shalt  }
0x60: {  	_ =	shalt  }
0x61: {  	_ =	shalt  }
0x62: {  	_ =	shalt  }
0x63: {  	_ =	shalt  }
0x64: {  	_ =	shalt  }
0x65: {  	_ =	shalt  }
0x66: {  	_ =	shalt  }
0x67: {  	_ =	shalt  }
0x68: {  	_ =	shalt  }
0x69: {  	_ =	shalt  }
0x6a: {  	_ =	shalt  }
0x6b: {  	_ =	shalt  }
0x6c: {  	_ =	shalt  }
0x6d: {  	_ =	shalt  }
0x6e: {  	_ =	shalt  }
0x6f: {  	_ =	shalt  }
0x70: {  	_ =	shalt  }
0x71: {  	_ =	shalt  }
0x72: {  	_ =	shalt  }
0x73: {  	_ =	shalt  }
0x74: {  	_ =	shalt  }
0x75: {  	_ =	shalt  }
0x76: {  	_ =	shalt  }
0x77: {  	_ =	shalt  }
0x78: {  	_ =	shalt  }
0x79: {  	_ =	shalt  }
0x7a: {  	_ =	shalt  }
0x7b: {  	_ =	shalt  }
0x7c: {  	_ =	shalt  }
0x7d: {  	_ =	shalt  }
0x7e: {  	_ =	shalt  }
0x7f: {  	_ =	shalt  }
0x80: {  	_ =	shalt  }
0x81: {  	_ =	shalt  }
0x82: {  	_ =	shalt  }
0x83: {  	_ =	shalt  }
0x84: {  	_ =	shalt  }
0x85: {  	_ =	shalt  }
0x86: {  	_ =	shalt  }
0x87: {  	_ =	shalt  }
.Lfunc_end0:
.L_simem_size_0:
called_computation_lowered:
.L_overlay_start_0:
0x88: {  	s2 =	sld [smem:$0x3FD9]  }
0x89: {  	s3 =	sld [smem:$0x3FFE];
	_ =	sdelay $0x1  }
0x8a: {  	s1 =	srdreg.scid  }
0x8b: {  	s0 =	sand.u32 $0x1, s1  }
0x8c: {  	s17 =	sshll.u32 s0, $0xA;
	s2 =	sadd.s32 s3, s2  }
0x8d: {  	s2 =	sadd.s32 s2, s17  }
0x8e: {  	[smem:$0x3FC4] =	sst s2  }
0x8f: {  	_ = 	snop  }
0x90: {  	s2 =	sld [smem:$0x3FD0];
	(tm) =	ssettm $0x1  }
0x91: {  	s18 =	sld [smem:$0x3FFB];
	_ =	sdelay $0x3  }
0x92: {  	_ =	strace s18  }
0x93: {  	s3 =	sld [smem:$0x3FFC];
	_ =	sdelay $0x3  }
0x94: {  	_ =	strace s3  }
0x95: {  	s3 =	sld [smem:$0x3FFD];
	_ =	sdelay $0x3  }
0x96: {  	_ =	strace s3  }
0x97: {  	_ =	strace $0x8FFFFFFF  }
0x98: {  	s19 =	sld [smem:$0x3FDB];
	_ =	sdelay $0x1  }
0x99: {  	s4 =	simm.s32 $_scs_section_size  }
0x9a: {  	s5 =	simm.s32 $_size__tile_overlayer_lowered;
	s6 =	simm.s32 $_tile_overlayer_lowered  }
0x9b: {  	s22 =	simm.s32 $0x1BFF;
	s21 =	sshll.u32 s6, $0x1;
	s3 =	sadd.s32 s4, s19  }
0x9c: {  	s7 =	simm.s32 $0x0;
	s20 =	sshll.u32 s5, $0x1;
	s5 =	sadd.s32 s21, s3  }
0x9d: {  	[timem:s7], [sflag:s22] =	dma.local [hbm:s5], s20  }
0x9e: {  	_ =	swait.ge [sflag:s22], s20  }
0x9f: {  	s4 =	ssub.s32 $0x0, s20;
	[sflag:s22] =	ssyncset.done $0x0  }
0xa0: {  	[sflag:s22] =	ssyncadd.s32 s4;
	_ =	sdelay $0x1  }
0xa1: {  	s23 =	simm.s32 $0x1B8B  }
0xa2: {  	_ =	swait.ge [sflag:s23], $0x1  }
0xa3: {  	[sflag:s23] =	ssyncset.done $0x0  }
0xa4: {  	s25 =	simm.s32 $0x1B8E;
	s24 =	sld [smem:$0x3FFE];
	[sflag:s23] =	ssyncadd.s32 $0xFFFFFFFF  }
0xa5: {  	s26 =	simm.s32 $execute0_lowered;
	[smem:$0x3FD2] =	sst s25  }
0xa6: {  	s5 =	sshll.u32 s26, $0x1;
	_ =	strace $0x80000046;
	[dreg:$0x1] =	wrdreg $0xFFFFFFFF  }
0xa7: {  	s28 =	simm.s32 $_size_execute0_lowered;
	s3 =	sadd.s32 s3, s5;
	[dreg:$0x0] =	wrdreg $0x0  }
0xa8: {  	s5 =	sshll.u32 s28, $0x1;
	[dreg:$0x2] =	wrdreg s3  }
0xa9: {  	[dreg:$0x3] =	wrdreg s5  }
0xaa: {  	[dreg:$0x4] =	wrdreg $0xC0  }
0xab: {  	_ =	task [dreg:s7], $0x5FFFF  }
0xac: {  	[dreg:$0x1] =	wrdreg $0xFFFFFFFF  }
0xad: {  	[dreg:$0x0] =	wrdreg $0x60  }
0xae: {  	[dreg:$0x2] =	wrdreg s24  }
0xaf: {  	[dreg:$0x3] =	wrdreg s2  }
0xb0: {  	[dreg:$0x4] =	wrdreg $0x9  }
0xb1: {  	_ =	task.clear_ibuf [dreg:s7], $0x5FFFF;
	_ =	strace $0x90000046  }
0xb2: {  	s29 =	simm.s32 $0x9;
	_ =	strace $0x80000048  }
0xb3: {  	_ =	swait.ge [sflag:s29], $0x1  }
0xb4: {  	[sflag:s29] =	ssyncadd.s32 $0xFFFFFFFF  }
0xb5: {  	_ =	strace $0x90000048  }
0xb6: {  	_ =	sfence  }
0xb7: {  	s30 =	sld [smem:$0x0];
	_ =	sdelay $0x2  }
0xb8: {  	s31 =	sshll.u32 s1, $0xD;
	s1 =	sshrl.u32 s1, $0x2  }
0xb9: {  	s3 =	sand.u32 $0x4000, s31;
	s1 =	sadd.s32 s1, s30  }
0xba: {  	s0 =	sor.u32 s3, s0;
	s1 =	sshll.u32 s1, $0x11  }
0xbb: {  	s0 =	sor.u32 s1, s0  }
0xbc: {  	s0 =	sadd.s32 $0x8F2B, s0  }
0xbd: {  	[sflag:s0] =	ssyncadd.remote.s32 $0x1  }
0xbe: {  	_ =	sfence.sel $0xFFFF  }
0xbf: {  	[dreg:$0x0] =	wrdreg $0xFFFFFFFF;
	(pc) =	sbr.abs _section_cstart, $3  }
0xc0: {  	[dreg:$0x1] =	wrdreg $0xFFFFFFFF  }
0xc1: {  	_ =	task.clear_ibuf [dreg:s7], $0x2FFFF;
	_ =	strace $0x9FFFFFFF  }
0xc2: {  	(tm) =	ssettm $0x7FFFFFFF  }
0xc3: {  	_ =	shalt  }
tec
execute0_lowered:
.L_overlay_start_1:
0x0: {  	(tag) =	ssettag $0x1  }
0x1: {  	s0 =	srdreg.scid;
	s1 =	rddreg [dreg:$0x0]  }
0x2: {  	s7 =	stileid.u32;
	s3 =	rddreg [dreg:$0x1]  }
0x3: {  	s8 =	simm.s32 $0x6400;
	s17 =	simm.s32 $0xA400;
	s14 =	simm.s32 $0x15C00  }
0x4: {  	s15 =	simm.s32 $0x16400;
	s16 =	simm.s32 $0x16C00;
	s18 =	simm.s32 $0x17400  }
0x5: {  	s19 =	simm.s32 $0x17C00;
	s20 =	simm.s32 $0x18400;
	s21 =	simm.s32 $0x18C00  }
0x6: {  	s22 =	simm.s32 $0x19400;
	s23 =	simm.s32 $0x19C00;
	s28 =	simm.s32 $0x3  }
0x7: {  	s29 =	simm.s32 $0x4;
	s30 =	simm.s32 $0x5;
	s31 =	simm.s32 $0x6  }
0x8: {  	s0 =	sand.u32 $0x1, s0;
	s2 =	sshll.u32 s7, $0x1;
	s7 =	smul.u32 $0xC8000, s7  }
0x9: {  	s4 =	sor.u32 s0, s2;
	s6 =	ssub.s32 $0x2, s0;
	s0 =	smul.u32 $0x64000, s0  }
0xa: {  	s11 =	simm.s32 $0x0;
	s2 =	simm.s32 $0x0;
	s5 =	smul.u32 $0x1400, s4  }
0xb: {  	[smem:$0x7FF] =	sst s2;
	s4 =	smul.u32 $0xC80, s4;
	s24 =	sshrl.u32 s6, $0x1  }
0xc: {  	s26 =	sadd.s32 s7, s3;
	s3 =	simm.s32 $0x12400;
	s7 =	simm.s32 $0xA  }
0xd: {  	_ =	strace $0x80000047;
	s6 =	ssub.s32 s6, s24;
	s24 =	simm.s32 $0x1  }
.Ltmp0:
0xe: {  	s5 =	sadd.s32 s5, s1;
	s1 =	sadd.s32 s4, s1;
	(pc) =	sbr.rel .LBB2_1-.Ltmp0, $4  }
0xf: {  	s25 =	smax.u32 s6, $0x1;
	s6 =	sadd.s32 s0, s26;
	s26 =	simm.s32 $0x2  }
0x10: {  	v2 =	vlaneseq.u32;
	s0 =	simm.s32 $0x8;
	s1 =	sadd.s32 $0xC00, s1;
	s4 =	sadd.s32 $0x19C00, s5  }
0x11: {  	vm0 =	vmmov $0xffff;
	v1 =	vshrl.u32 v2, $0x3;
	[dreg:$0x4] =	wrdreg s25;
	s25 =	simm.s32 $0xE400;
	s5 =	simm.s32 $0x9  }
0x12: {  	v0 =	vand.u32 $0x7, v2;
	v2 =	vor.u32 $0x8, v2;
	v1 =	vmul.u32 $0x8, v1;
	[dreg:$0x3] =	wrdreg s1;
	s9 =	sadd.s32 $0x100, s4;
	s1 =	simm.s32 $0x7  }
.LBB2_4:
0x13: {  	_ =	swait.ge [sflag:s1], $0x4000  }
0x14: {  	[sflag:s1] =	ssyncset.done $0x0  }
0x15: {  	[sflag:s1] =	ssyncadd.s32 $0xFFFFC000  }
0x16: {  	_ =	swait.ge [sflag:s0], $0x4000  }
0x17: {  	[sflag:s0] =	ssyncset.done $0x0  }
0x18: {  	[sflag:s0] =	ssyncadd.s32 $0xFFFFC000  }
0x19: {  	_ =	swait.ge [sflag:s5], $0x4000  }
0x1a: {  	[sflag:s5] =	ssyncset.done $0x0  }
0x1b: {  	[sflag:s5] =	ssyncadd.s32 $0xFFFFC000  }
0x1c: {  	_ =	swait.ge [sflag:s7], $0x4000  }
0x1d: {  	s11 =	rddreg [dreg:$0x5]  }
0x1e: {  	s10 =	rddreg [dreg:$0x4];
	s11 =	sadd.s32 $0x1, s11  }
0x1f: {  	p0 =	sne.s32 s11, s10  }
.Ltmp1:
0x20: {  	_ = 	snop;
	(pc) =	sbr.rel @!p0 .LBB2_5-.Ltmp1, $3  }
0x21: {  	_ =	sdelay $0x1  }
0x22: {  	[sflag:s7] =	ssyncset.done $0x0  }
0x23: {  	[sflag:s7] =	ssyncadd.s32 $0xFFFFC000  }
.LBB2_1:
0x24: {  	[dreg:$0x5] =	wrdreg s11  }
0x25: {  	s10 =	rddreg [dreg:$0x3];
	s13 =	simm.s32 $0xB  }
0x26: {  	[tilespmem:s2], [sflag:$0xB] =	stream.linear.gather [hbm4b:s10+s2], $0x6400, $0x38;
	[tilespmem:$0x1A400] =	vst v63  }
0x27: {  	_ =	swait.ge [sflag:s13], $0x6400  }
0x28: {  	[sflag:s13] =	ssyncset.done $0x0  }
0x29: {  	[sflag:s13] =	ssyncadd.s32 $0xFFFF9C00  }
0x2a: {  	v3 =	vld [tilespmem:$0x0];
	_ =	sdelay $0x4  }
0x2b: {  	v4 =	vshll.u32 v3, $0x2  }
0x2c: {  	v3 =	vand.u32 $0x7, v3;
	v4 =	vand.u32 $0xFFFFFFE0, v4  }
0x2d: {  	v3 =	vor.u32 v3, v4  }
0x2e: {  	v4 =	vperm.xlane v3, v0;
	_ =	sdelay $0x1  }
0x2f: {  	v4 =	vadd.s32 v1, v4;
	_ =	sdelay $0x1  }
0x30: {  	v3 =	vperm.xlane v3, v2;
	_ =	sdelay $0x1  }
0x31: {  	v3 =	vadd.s32 v1, v3  }
0x32: {  	[tilespmem:s8], [sflag:$0x1] =	stream.indirect_vreg.gather [hbm4b:s4+s2], $0x80, v4, vm0, $0xb8;
	[tilespmem:$0x1A400] =	vst v63  }
0x33: {  	s11 =	simm.s32 $0x6C00  }
0x34: {  	[tilespmem:s11], [sflag:$0x1] =	stream.indirect_vreg.gather [hbm4b:s9+s2], $0x80, v4, vm0, $0xb8;
	[tilespmem:$0x1A400] =	vst v63  }
0x35: {  	s12 =	simm.s32 $0x7400  }
0x36: {  	[tilespmem:s12], [sflag:$0x1] =	stream.indirect_vreg.gather [hbm4b:s4+s2], $0x80, v3, vm0, $0xb8;
	[tilespmem:$0x1A400] =	vst v63  }
0x37: {  	s13 =	simm.s32 $0x7C00  }
0x38: {  	[tilespmem:s13], [sflag:$0x1] =	stream.indirect_vreg.gather [hbm4b:s9+s2], $0x80, v3, vm0, $0xb8;
	[tilespmem:$0x1A400] =	vst v63  }
0x39: {  	v3 =	vld [tilespmem:$0x10];
	_ =	sdelay $0x4  }
0x3a: {  	v55 =	vshll.u32 v3, $0x2  }
0x3b: {  	v3 =	vand.u32 $0x7, v3;
	v4 =	vand.u32 $0xFFFFFFE0, v55  }
0x3c: {  	v3 =	vor.u32 v3, v4  }
0x3d: {  	v4 =	vperm.xlane v3, v0;
	_ =	sdelay $0x1  }
0x3e: {  	v4 =	vadd.s32 v1, v4;
	_ =	sdelay $0x1  }
0x3f: {  	v3 =	vperm.xlane v3, v2;
	_ =	sdelay $0x1  }
0x40: {  	s11 =	simm.s32 $0x8400;
	v3 =	vadd.s32 v1, v3  }
0x41: {  	[tilespmem:s11], [sflag:$0x1] =	stream.indirect_vreg.gather [hbm4b:s4+s2], $0x80, v4, vm0, $0xb8;
	[tilespmem:$0x1A400] =	vst v63  }
0x42: {  	s12 =	simm.s32 $0x8C00  }
0x43: {  	[tilespmem:s12], [sflag:$0x1] =	stream.indirect_vreg.gather [hbm4b:s9+s2], $0x80, v4, vm0, $0xb8;
	[tilespmem:$0x1A400] =	vst v63  }
0x44: {  	s13 =	simm.s32 $0x9400  }
0x45: {  	[tilespmem:s13], [sflag:$0x1] =	stream.indirect_vreg.gather [hbm4b:s4+s2], $0x80, v3, vm0, $0xb8;
	[tilespmem:$0x1A400] =	vst v63  }
0x46: {  	s11 =	simm.s32 $0x9C00  }
0x47: {  	[tilespmem:s11], [sflag:$0x1] =	stream.indirect_vreg.gather [hbm4b:s9+s2], $0x80, v3, vm0, $0xb8;
	[tilespmem:$0x1A400] =	vst v63  }
0x48: {  	v3 =	vld [tilespmem:$0x80];
	_ =	sdelay $0x4  }
0x49: {  	v56 =	vshll.u32 v3, $0x2  }
0x4a: {  	v3 =	vand.u32 $0x7, v3;
	v4 =	vand.u32 $0xFFFFFFE0, v56  }
0x4b: {  	v3 =	vor.u32 v3, v4  }
0x4c: {  	v4 =	vperm.xlane v3, v0;
	_ =	sdelay $0x1  }
0x4d: {  	v4 =	vadd.s32 v1, v4;
	_ =	sdelay $0x1  }
0x4e: {  	v3 =	vperm.xlane v3, v2;
	_ =	sdelay $0x1  }
0x4f: {  	v3 =	vadd.s32 v1, v3  }
0x50: {  	[tilespmem:s17], [sflag:$0x2] =	stream.indirect_vreg.gather [hbm4b:s4+s2], $0x80, v4, vm0, $0xb8;
	[tilespmem:$0x1A400] =	vst v63  }
0x51: {  	s12 =	simm.s32 $0xAC00  }
0x52: {  	[tilespmem:s12], [sflag:$0x2] =	stream.indirect_vreg.gather [hbm4b:s9+s2], $0x80, v4, vm0, $0xb8;
	[tilespmem:$0x1A400] =	vst v63  }
0x53: {  	s13 =	simm.s32 $0xB400  }
0x54: {  	[tilespmem:s13], [sflag:$0x2] =	stream.indirect_vreg.gather [hbm4b:s4+s2], $0x80, v3, vm0, $0xb8;
	[tilespmem:$0x1A400] =	vst v63  }
0x55: {  	s11 =	simm.s32 $0xBC00  }
0x56: {  	[tilespmem:s11], [sflag:$0x2] =	stream.indirect_vreg.gather [hbm4b:s9+s2], $0x80, v3, vm0, $0xb8;
	[tilespmem:$0x1A400] =	vst v63  }
0x57: {  	v3 =	vld [tilespmem:$0x90];
	_ =	sdelay $0x4  }
0x58: {  	v57 =	vshll.u32 v3, $0x2  }
0x59: {  	v3 =	vand.u32 $0x7, v3;
	v4 =	vand.u32 $0xFFFFFFE0, v57  }
0x5a: {  	v3 =	vor.u32 v3, v4  }
0x5b: {  	v4 =	vperm.xlane v3, v0;
	_ =	sdelay $0x1  }
0x5c: {  	v4 =	vadd.s32 v1, v4;
	_ =	sdelay $0x1  }
0x5d: {  	v3 =	vperm.xlane v3, v2;
	_ =	sdelay $0x1  }
0x5e: {  	s12 =	simm.s32 $0xC400;
	v3 =	vadd.s32 v1, v3  }
0x5f: {  	[tilespmem:s12], [sflag:$0x2] =	stream.indirect_vreg.gather [hbm4b:s4+s2], $0x80, v4, vm0, $0xb8;
	[tilespmem:$0x1A400] =	vst v63  }
0x60: {  	s13 =	simm.s32 $0xCC00  }
0x61: {  	[tilespmem:s13], [sflag:$0x2] =	stream.indirect_vreg.gather [hbm4b:s9+s2], $0x80, v4, vm0, $0xb8;
	[tilespmem:$0x1A400] =	vst v63  }
0x62: {  	s11 =	simm.s32 $0xD400  }
0x63: {  	[tilespmem:s11], [sflag:$0x2] =	stream.indirect_vreg.gather [hbm4b:s4+s2], $0x80, v3, vm0, $0xb8;
	[tilespmem:$0x1A400] =	vst v63  }
0x64: {  	s12 =	simm.s32 $0xDC00  }
0x65: {  	[tilespmem:s12], [sflag:$0x2] =	stream.indirect_vreg.gather [hbm4b:s9+s2], $0x80, v3, vm0, $0xb8;
	[tilespmem:$0x1A400] =	vst v63  }
0x66: {  	v3 =	vld [tilespmem:$0x100];
	_ =	sdelay $0x4  }
0x67: {  	v58 =	vshll.u32 v3, $0x2  }
0x68: {  	v3 =	vand.u32 $0x7, v3;
	v4 =	vand.u32 $0xFFFFFFE0, v58  }
0x69: {  	v3 =	vor.u32 v3, v4  }
0x6a: {  	v4 =	vperm.xlane v3, v0;
	_ =	sdelay $0x1  }
0x6b: {  	v4 =	vadd.s32 v1, v4;
	_ =	sdelay $0x1  }
0x6c: {  	v3 =	vperm.xlane v3, v2;
	_ =	sdelay $0x1  }
0x6d: {  	v3 =	vadd.s32 v1, v3  }
0x6e: {  	[tilespmem:s25], [sflag:$0x3] =	stream.indirect_vreg.gather [hbm4b:s4+s2], $0x80, v4, vm0, $0xb8;
	[tilespmem:$0x1A400] =	vst v63  }
0x6f: {  	s13 =	simm.s32 $0xEC00  }
0x70: {  	[tilespmem:s13], [sflag:$0x3] =	stream.indirect_vreg.gather [hbm4b:s9+s2], $0x80, v4, vm0, $0xb8;
	[tilespmem:$0x1A400] =	vst v63  }
0x71: {  	s11 =	simm.s32 $0xF400  }
0x72: {  	[tilespmem:s11], [sflag:$0x3] =	stream.indirect_vreg.gather [hbm4b:s4+s2], $0x80, v3, vm0, $0xb8;
	[tilespmem:$0x1A400] =	vst v63  }
0x73: {  	s12 =	simm.s32 $0xFC00  }
0x74: {  	[tilespmem:s12], [sflag:$0x3] =	stream.indirect_vreg.gather [hbm4b:s9+s2], $0x80, v3, vm0, $0xb8;
	[tilespmem:$0x1A400] =	vst v63  }
0x75: {  	v3 =	vld [tilespmem:$0x110];
	_ =	sdelay $0x4  }
0x76: {  	v59 =	vshll.u32 v3, $0x2  }
0x77: {  	v3 =	vand.u32 $0x7, v3;
	v4 =	vand.u32 $0xFFFFFFE0, v59  }
0x78: {  	v3 =	vor.u32 v3, v4  }
0x79: {  	v4 =	vperm.xlane v3, v0;
	_ =	sdelay $0x1  }
0x7a: {  	v4 =	vadd.s32 v1, v4;
	_ =	sdelay $0x1  }
0x7b: {  	v3 =	vperm.xlane v3, v2;
	_ =	sdelay $0x1  }
0x7c: {  	s13 =	simm.s32 $0x10400;
	v3 =	vadd.s32 v1, v3  }
0x7d: {  	[tilespmem:s13], [sflag:$0x3] =	stream.indirect_vreg.gather [hbm4b:s4+s2], $0x80, v4, vm0, $0xb8;
	[tilespmem:$0x1A400] =	vst v63  }
0x7e: {  	s11 =	simm.s32 $0x10C00  }
0x7f: {  	[tilespmem:s11], [sflag:$0x3] =	stream.indirect_vreg.gather [hbm4b:s9+s2], $0x80, v4, vm0, $0xb8;
	[tilespmem:$0x1A400] =	vst v63  }
0x80: {  	s12 =	simm.s32 $0x11400  }
0x81: {  	[tilespmem:s12], [sflag:$0x3] =	stream.indirect_vreg.gather [hbm4b:s4+s2], $0x80, v3, vm0, $0xb8;
	[tilespmem:$0x1A400] =	vst v63  }
0x82: {  	s13 =	simm.s32 $0x11C00  }
0x83: {  	[tilespmem:s13], [sflag:$0x3] =	stream.indirect_vreg.gather [hbm4b:s9+s2], $0x80, v3, vm0, $0xb8;
	[tilespmem:$0x1A400] =	vst v63  }
0x84: {  	v3 =	vld [tilespmem:$0x180];
	_ =	sdelay $0x4  }
0x85: {  	v60 =	vshll.u32 v3, $0x2  }
0x86: {  	v3 =	vand.u32 $0x7, v3;
	v4 =	vand.u32 $0xFFFFFFE0, v60  }
0x87: {  	v3 =	vor.u32 v3, v4  }
0x88: {  	v4 =	vperm.xlane v3, v0;
	_ =	sdelay $0x1  }
0x89: {  	v4 =	vadd.s32 v1, v4;
	_ =	sdelay $0x1  }
0x8a: {  	v3 =	vperm.xlane v3, v2;
	_ =	sdelay $0x1  }
0x8b: {  	v3 =	vadd.s32 v1, v3  }
0x8c: {  	[tilespmem:s3], [sflag:$0x4] =	stream.indirect_vreg.gather [hbm4b:s4+s2], $0x80, v4, vm0, $0xb8;
	[tilespmem:$0x1A400] =	vst v63  }
0x8d: {  	s11 =	simm.s32 $0x12C00  }
0x8e: {  	[tilespmem:s11], [sflag:$0x4] =	stream.indirect_vreg.gather [hbm4b:s9+s2], $0x80, v4, vm0, $0xb8;
	[tilespmem:$0x1A400] =	vst v63  }
0x8f: {  	s12 =	simm.s32 $0x13400  }
0x90: {  	[tilespmem:s12], [sflag:$0x4] =	stream.indirect_vreg.gather [hbm4b:s4+s2], $0x80, v3, vm0, $0xb8;
	[tilespmem:$0x1A400] =	vst v63  }
0x91: {  	s13 =	simm.s32 $0x13C00  }
0x92: {  	[tilespmem:s13], [sflag:$0x4] =	stream.indirect_vreg.gather [hbm4b:s9+s2], $0x80, v3, vm0, $0xb8;
	[tilespmem:$0x1A400] =	vst v63  }
0x93: {  	v3 =	vld [tilespmem:$0x190];
	_ =	sdelay $0x4  }
0x94: {  	v61 =	vshll.u32 v3, $0x2  }
0x95: {  	v3 =	vand.u32 $0x7, v3;
	v4 =	vand.u32 $0xFFFFFFE0, v61  }
0x96: {  	v3 =	vor.u32 v3, v4  }
0x97: {  	v4 =	vperm.xlane v3, v0;
	_ =	sdelay $0x1  }
0x98: {  	v4 =	vadd.s32 v1, v4;
	_ =	sdelay $0x1  }
0x99: {  	v3 =	vperm.xlane v3, v2;
	_ =	sdelay $0x1  }
0x9a: {  	s11 =	simm.s32 $0x14400;
	v3 =	vadd.s32 v1, v3  }
0x9b: {  	[tilespmem:s11], [sflag:$0x4] =	stream.indirect_vreg.gather [hbm4b:s4+s2], $0x80, v4, vm0, $0xb8;
	[tilespmem:$0x1A400] =	vst v63  }
0x9c: {  	s12 =	simm.s32 $0x14C00  }
0x9d: {  	[tilespmem:s12], [sflag:$0x4] =	stream.indirect_vreg.gather [hbm4b:s9+s2], $0x80, v4, vm0, $0xb8;
	[tilespmem:$0x1A400] =	vst v63  }
0x9e: {  	s13 =	simm.s32 $0x15400  }
0x9f: {  	[tilespmem:s13], [sflag:$0x4] =	stream.indirect_vreg.gather [hbm4b:s4+s2], $0x80, v3, vm0, $0xb8;
	[tilespmem:$0x1A400] =	vst v63  }
0xa0: {  	_ = 	snop  }
0xa1: {  	[tilespmem:s14], [sflag:$0x4] =	stream.indirect_vreg.gather [hbm4b:s9+s2], $0x80, v3, vm0, $0xb8;
	[tilespmem:$0x1A400] =	vst v63  }
0xa2: {  	v3 =	vld [tilespmem:$0x200];
	_ =	sdelay $0x4  }
0xa3: {  	v62 =	vshll.u32 v3, $0x2  }
0xa4: {  	v3 =	vand.u32 $0x7, v3;
	v4 =	vand.u32 $0xFFFFFFE0, v62  }
0xa5: {  	v3 =	vor.u32 v3, v4  }
0xa6: {  	v4 =	vperm.xlane v3, v0;
	_ =	sdelay $0x1  }
0xa7: {  	v4 =	vadd.s32 v1, v4;
	_ =	sdelay $0x1  }
0xa8: {  	v3 =	vperm.xlane v3, v2;
	_ =	sdelay $0x1  }
0xa9: {  	v3 =	vadd.s32 v1, v3  }
0xaa: {  	[tilespmem:s15], [sflag:$0x5] =	stream.indirect_vreg.gather [hbm4b:s4+s2], $0x80, v4, vm0, $0xb8;
	[tilespmem:$0x1A400] =	vst v63  }
0xab: {  	_ = 	snop  }
0xac: {  	[tilespmem:s16], [sflag:$0x5] =	stream.indirect_vreg.gather [hbm4b:s9+s2], $0x80, v4, vm0, $0xb8;
	[tilespmem:$0x1A400] =	vst v63  }
0xad: {  	_ = 	snop  }
0xae: {  	[tilespmem:s18], [sflag:$0x5] =	stream.indirect_vreg.gather [hbm4b:s4+s2], $0x80, v3, vm0, $0xb8;
	[tilespmem:$0x1A400] =	vst v63  }
0xaf: {  	_ = 	snop  }
0xb0: {  	[tilespmem:s19], [sflag:$0x5] =	stream.indirect_vreg.gather [hbm4b:s9+s2], $0x80, v3, vm0, $0xb8;
	[tilespmem:$0x1A400] =	vst v63  }
0xb1: {  	v3 =	vld [tilespmem:$0x210];
	_ =	sdelay $0x4  }
0xb2: {  	v63 =	vshll.u32 v3, $0x2  }
0xb3: {  	v3 =	vand.u32 $0x7, v3;
	v4 =	vand.u32 $0xFFFFFFE0, v63  }
0xb4: {  	v3 =	vor.u32 v3, v4  }
0xb5: {  	v4 =	vperm.xlane v3, v0;
	_ =	sdelay $0x1  }
0xb6: {  	v4 =	vadd.s32 v1, v4;
	_ =	sdelay $0x1  }
0xb7: {  	v3 =	vperm.xlane v3, v2;
	_ =	sdelay $0x1  }
0xb8: {  	v3 =	vadd.s32 v1, v3  }
0xb9: {  	[tilespmem:s20], [sflag:$0x5] =	stream.indirect_vreg.gather [hbm4b:s4+s2], $0x80, v4, vm0, $0xb8;
	[tilespmem:$0x1A400] =	vst v63  }
0xba: {  	_ = 	snop  }
0xbb: {  	[tilespmem:s21], [sflag:$0x5] =	stream.indirect_vreg.gather [hbm4b:s9+s2], $0x80, v4, vm0, $0xb8;
	[tilespmem:$0x1A400] =	vst v63  }
0xbc: {  	_ = 	snop  }
0xbd: {  	[tilespmem:s22], [sflag:$0x5] =	stream.indirect_vreg.gather [hbm4b:s4+s2], $0x80, v3, vm0, $0xb8;
	[tilespmem:$0x1A400] =	vst v63  }
0xbe: {  	s10 =	simm.s32 $0x490;
	s11 =	simm.s32 $0x0  }
0xbf: {  	[tilespmem:s23], [sflag:$0x5] =	stream.indirect_vreg.gather [hbm4b:s9+s2], $0x80, v3, vm0, $0xb8;
	[tilespmem:$0x1A400] =	vst v63  }
.LBB2_2:
0xc0: {  	_ =	swait.ge [sflag:s24], $0x4000  }
0xc1: {  	[sflag:s24] =	ssyncset.done $0x0  }
0xc2: {  	s12 =	sadd.s32 s11, s6;
	[sflag:s24] =	ssyncadd.s32 $0xFFFFC000  }
0xc3: {  	[hbm4b:s12+s2] =	stream.linear.scatter [tilespmem:s8], [sflag:$0x6], $0x4000, $0x38;
	[tilespmem:$0x1A400] =	vst v63  }
0xc4: {  	_ =	swait.ge [sflag:s26], $0x4000  }
0xc5: {  	[sflag:s26] =	ssyncset.done $0x0  }
0xc6: {  	s13 =	sadd.s32 $0x800, s12;
	[sflag:s26] =	ssyncadd.s32 $0xFFFFC000  }
0xc7: {  	[hbm4b:s13+s2] =	stream.linear.scatter [tilespmem:s17], [sflag:$0x7], $0x4000, $0x38;
	[tilespmem:$0x1A400] =	vst v63  }
0xc8: {  	_ =	swait.ge [sflag:s28], $0x4000  }
0xc9: {  	[sflag:s28] =	ssyncset.done $0x0  }
0xca: {  	s13 =	sadd.s32 $0x1000, s12;
	[sflag:s28] =	ssyncadd.s32 $0xFFFFC000  }
0xcb: {  	[hbm4b:s13+s2] =	stream.linear.scatter [tilespmem:s25], [sflag:$0x8], $0x4000, $0x38;
	[tilespmem:$0x1A400] =	vst v63  }
0xcc: {  	_ =	swait.ge [sflag:s29], $0x4000  }
0xcd: {  	[sflag:s29] =	ssyncset.done $0x0  }
0xce: {  	s13 =	sadd.s32 $0x1800, s12;
	[sflag:s29] =	ssyncadd.s32 $0xFFFFC000  }
0xcf: {  	[hbm4b:s13+s2] =	stream.linear.scatter [tilespmem:s3], [sflag:$0x9], $0x4000, $0x38;
	[tilespmem:$0x1A400] =	vst v63  }
0xd0: {  	_ =	swait.ge [sflag:s30], $0x4000  }
0xd1: {  	p0 =	seq.s32 s11, $0x61800;
	[sflag:s30] =	ssyncset.done $0x0  }
.Ltmp2:
0xd2: {  	s12 =	sadd.s32 $0x2000, s12;
	[sflag:s30] =	ssyncadd.s32 $0xFFFFC000;
	(pc) =	sbr.rel @p0 .LBB2_4-.Ltmp2, $4  }
0xd3: {  	[hbm4b:s12+s2] =	stream.linear.scatter [tilespmem:s15], [sflag:$0xA], $0x4000, $0x38;
	[tilespmem:$0x1A400] =	vst v63  }
0xd4: {  	_ =	swait.ge [sflag:s31], $0x4000  }
0xd5: {  	[sflag:s31] =	ssyncset.done $0x0  }
0xd6: {  	[sflag:s31] =	ssyncadd.s32 $0xFFFFC000  }
0xd7: {  	v3 =	vld [tilespmem:s10+$0xFFFFFDF0];
	_ =	sdelay $0x4  }
0xd8: {  	v4 =	vshll.u32 v3, $0x2  }
0xd9: {  	v3 =	vand.u32 $0x7, v3;
	v4 =	vand.u32 $0xFFFFFFE0, v4  }
0xda: {  	v3 =	vor.u32 v3, v4  }
0xdb: {  	v4 =	vperm.xlane v3, v0;
	_ =	sdelay $0x1  }
0xdc: {  	v4 =	vadd.s32 v1, v4;
	_ =	sdelay $0x1  }
0xdd: {  	v3 =	vperm.xlane v3, v2;
	_ =	sdelay $0x1  }
0xde: {  	v3 =	vadd.s32 v1, v3  }
0xdf: {  	[tilespmem:s8], [sflag:$0x1] =	stream.indirect_vreg.gather [hbm4b:s4+s2], $0x80, v4, vm0, $0xb8;
	[tilespmem:$0x1A400] =	vst v63  }
0xe0: {  	s12 =	simm.s32 $0x6C00  }
0xe1: {  	[tilespmem:s12], [sflag:$0x1] =	stream.indirect_vreg.gather [hbm4b:s9+s2], $0x80, v4, vm0, $0xb8;
	[tilespmem:$0x1A400] =	vst v63  }
0xe2: {  	s13 =	simm.s32 $0x7400  }
0xe3: {  	[tilespmem:s13], [sflag:$0x1] =	stream.indirect_vreg.gather [hbm4b:s4+s2], $0x80, v3, vm0, $0xb8;
	[tilespmem:$0x1A400] =	vst v63  }
0xe4: {  	s13 =	simm.s32 $0x7C00  }
0xe5: {  	[tilespmem:s13], [sflag:$0x1] =	stream.indirect_vreg.gather [hbm4b:s9+s2], $0x80, v3, vm0, $0xb8;
	[tilespmem:$0x1A400] =	vst v63  }
0xe6: {  	v3 =	vld [tilespmem:s10+$0xFFFFFE00];
	_ =	sdelay $0x4  }
0xe7: {  	v55 =	vshll.u32 v3, $0x2  }
0xe8: {  	v3 =	vand.u32 $0x7, v3;
	v4 =	vand.u32 $0xFFFFFFE0, v55  }
0xe9: {  	v3 =	vor.u32 v3, v4  }
0xea: {  	v4 =	vperm.xlane v3, v0;
	_ =	sdelay $0x1  }
0xeb: {  	v4 =	vadd.s32 v1, v4;
	_ =	sdelay $0x1  }
0xec: {  	v3 =	vperm.xlane v3, v2;
	_ =	sdelay $0x1  }
0xed: {  	s13 =	simm.s32 $0x8400;
	v3 =	vadd.s32 v1, v3  }
0xee: {  	[tilespmem:s13], [sflag:$0x1] =	stream.indirect_vreg.gather [hbm4b:s4+s2], $0x80, v4, vm0, $0xb8;
	[tilespmem:$0x1A400] =	vst v63  }
0xef: {  	s13 =	simm.s32 $0x8C00  }
0xf0: {  	[tilespmem:s13], [sflag:$0x1] =	stream.indirect_vreg.gather [hbm4b:s9+s2], $0x80, v4, vm0, $0xb8;
	[tilespmem:$0x1A400] =	vst v63  }
0xf1: {  	s13 =	simm.s32 $0x9400  }
0xf2: {  	[tilespmem:s13], [sflag:$0x1] =	stream.indirect_vreg.gather [hbm4b:s4+s2], $0x80, v3, vm0, $0xb8;
	[tilespmem:$0x1A400] =	vst v63  }
0xf3: {  	s13 =	simm.s32 $0x9C00  }
0xf4: {  	[tilespmem:s13], [sflag:$0x1] =	stream.indirect_vreg.gather [hbm4b:s9+s2], $0x80, v3, vm0, $0xb8;
	[tilespmem:$0x1A400] =	vst v63  }
0xf5: {  	_ =	swait.ge [sflag:s1], $0x4000  }
0xf6: {  	[sflag:s1] =	ssyncset.done $0x0  }
0xf7: {  	[sflag:s1] =	ssyncadd.s32 $0xFFFFC000  }
0xf8: {  	v3 =	vld [tilespmem:s10+$0xFFFFFE70];
	_ =	sdelay $0x4  }
0xf9: {  	v56 =	vshll.u32 v3, $0x2  }
0xfa: {  	v3 =	vand.u32 $0x7, v3;
	v4 =	vand.u32 $0xFFFFFFE0, v56  }
0xfb: {  	v3 =	vor.u32 v3, v4  }
0xfc: {  	v4 =	vperm.xlane v3, v0;
	_ =	sdelay $0x1  }
0xfd: {  	v4 =	vadd.s32 v1, v4;
	_ =	sdelay $0x1  }
0xfe: {  	v3 =	vperm.xlane v3, v2;
	_ =	sdelay $0x1  }
0xff: {  	v3 =	vadd.s32 v1, v3  }
0x100: {  	[tilespmem:s17], [sflag:$0x2] =	stream.indirect_vreg.gather [hbm4b:s4+s2], $0x80, v4, vm0, $0xb8;
	[tilespmem:$0x1A400] =	vst v63  }
0x101: {  	s13 =	simm.s32 $0xAC00  }
0x102: {  	[tilespmem:s13], [sflag:$0x2] =	stream.indirect_vreg.gather [hbm4b:s9+s2], $0x80, v4, vm0, $0xb8;
	[tilespmem:$0x1A400] =	vst v63  }
0x103: {  	s13 =	simm.s32 $0xB400  }
0x104: {  	[tilespmem:s13], [sflag:$0x2] =	stream.indirect_vreg.gather [hbm4b:s4+s2], $0x80, v3, vm0, $0xb8;
	[tilespmem:$0x1A400] =	vst v63  }
0x105: {  	s13 =	simm.s32 $0xBC00  }
0x106: {  	[tilespmem:s13], [sflag:$0x2] =	stream.indirect_vreg.gather [hbm4b:s9+s2], $0x80, v3, vm0, $0xb8;
	[tilespmem:$0x1A400] =	vst v63  }
0x107: {  	v3 =	vld [tilespmem:s10+$0xFFFFFE80];
	_ =	sdelay $0x4  }
0x108: {  	v57 =	vshll.u32 v3, $0x2  }
0x109: {  	v3 =	vand.u32 $0x7, v3;
	v4 =	vand.u32 $0xFFFFFFE0, v57  }
0x10a: {  	v3 =	vor.u32 v3, v4  }
0x10b: {  	v4 =	vperm.xlane v3, v0;
	_ =	sdelay $0x1  }
0x10c: {  	v4 =	vadd.s32 v1, v4;
	_ =	sdelay $0x1  }
0x10d: {  	v3 =	vperm.xlane v3, v2;
	_ =	sdelay $0x1  }
0x10e: {  	s13 =	simm.s32 $0xC400;
	v3 =	vadd.s32 v1, v3  }
0x10f: {  	[tilespmem:s13], [sflag:$0x2] =	stream.indirect_vreg.gather [hbm4b:s4+s2], $0x80, v4, vm0, $0xb8;
	[tilespmem:$0x1A400] =	vst v63  }
0x110: {  	s13 =	simm.s32 $0xCC00  }
0x111: {  	[tilespmem:s13], [sflag:$0x2] =	stream.indirect_vreg.gather [hbm4b:s9+s2], $0x80, v4, vm0, $0xb8;
	[tilespmem:$0x1A400] =	vst v63  }
0x112: {  	s13 =	simm.s32 $0xD400  }
0x113: {  	[tilespmem:s13], [sflag:$0x2] =	stream.indirect_vreg.gather [hbm4b:s4+s2], $0x80, v3, vm0, $0xb8;
	[tilespmem:$0x1A400] =	vst v63  }
0x114: {  	s13 =	simm.s32 $0xDC00  }
0x115: {  	[tilespmem:s13], [sflag:$0x2] =	stream.indirect_vreg.gather [hbm4b:s9+s2], $0x80, v3, vm0, $0xb8;
	[tilespmem:$0x1A400] =	vst v63  }
0x116: {  	_ =	swait.ge [sflag:s0], $0x4000  }
0x117: {  	[sflag:s0] =	ssyncset.done $0x0  }
0x118: {  	[sflag:s0] =	ssyncadd.s32 $0xFFFFC000  }
0x119: {  	v3 =	vld [tilespmem:s10+$0xFFFFFEF0];
	_ =	sdelay $0x4  }
0x11a: {  	v58 =	vshll.u32 v3, $0x2  }
0x11b: {  	v3 =	vand.u32 $0x7, v3;
	v4 =	vand.u32 $0xFFFFFFE0, v58  }
0x11c: {  	v3 =	vor.u32 v3, v4  }
0x11d: {  	v4 =	vperm.xlane v3, v0;
	_ =	sdelay $0x1  }
0x11e: {  	v4 =	vadd.s32 v1, v4;
	_ =	sdelay $0x1  }
0x11f: {  	v3 =	vperm.xlane v3, v2;
	_ =	sdelay $0x1  }
0x120: {  	v3 =	vadd.s32 v1, v3  }
0x121: {  	[tilespmem:s25], [sflag:$0x3] =	stream.indirect_vreg.gather [hbm4b:s4+s2], $0x80, v4, vm0, $0xb8;
	[tilespmem:$0x1A400] =	vst v63  }
0x122: {  	s13 =	simm.s32 $0xEC00  }
0x123: {  	[tilespmem:s13], [sflag:$0x3] =	stream.indirect_vreg.gather [hbm4b:s9+s2], $0x80, v4, vm0, $0xb8;
	[tilespmem:$0x1A400] =	vst v63  }
0x124: {  	s13 =	simm.s32 $0xF400  }
0x125: {  	[tilespmem:s13], [sflag:$0x3] =	stream.indirect_vreg.gather [hbm4b:s4+s2], $0x80, v3, vm0, $0xb8;
	[tilespmem:$0x1A400] =	vst v63  }
0x126: {  	s13 =	simm.s32 $0xFC00  }
0x127: {  	[tilespmem:s13], [sflag:$0x3] =	stream.indirect_vreg.gather [hbm4b:s9+s2], $0x80, v3, vm0, $0xb8;
	[tilespmem:$0x1A400] =	vst v63  }
0x128: {  	v3 =	vld [tilespmem:s10+$0xFFFFFF00];
	_ =	sdelay $0x4  }
0x129: {  	v59 =	vshll.u32 v3, $0x2  }
0x12a: {  	v3 =	vand.u32 $0x7, v3;
	v4 =	vand.u32 $0xFFFFFFE0, v59  }
0x12b: {  	v3 =	vor.u32 v3, v4  }
0x12c: {  	v4 =	vperm.xlane v3, v0;
	_ =	sdelay $0x1  }
0x12d: {  	v4 =	vadd.s32 v1, v4;
	_ =	sdelay $0x1  }
0x12e: {  	v3 =	vperm.xlane v3, v2;
	_ =	sdelay $0x1  }
0x12f: {  	s13 =	simm.s32 $0x10400;
	v3 =	vadd.s32 v1, v3  }
0x130: {  	[tilespmem:s13], [sflag:$0x3] =	stream.indirect_vreg.gather [hbm4b:s4+s2], $0x80, v4, vm0, $0xb8;
	[tilespmem:$0x1A400] =	vst v63  }
0x131: {  	s13 =	simm.s32 $0x10C00  }
0x132: {  	[tilespmem:s13], [sflag:$0x3] =	stream.indirect_vreg.gather [hbm4b:s9+s2], $0x80, v4, vm0, $0xb8;
	[tilespmem:$0x1A400] =	vst v63  }
0x133: {  	s13 =	simm.s32 $0x11400  }
0x134: {  	[tilespmem:s13], [sflag:$0x3] =	stream.indirect_vreg.gather [hbm4b:s4+s2], $0x80, v3, vm0, $0xb8;
	[tilespmem:$0x1A400] =	vst v63  }
0x135: {  	s13 =	simm.s32 $0x11C00  }
0x136: {  	[tilespmem:s13], [sflag:$0x3] =	stream.indirect_vreg.gather [hbm4b:s9+s2], $0x80, v3, vm0, $0xb8;
	[tilespmem:$0x1A400] =	vst v63  }
0x137: {  	_ =	swait.ge [sflag:s5], $0x4000  }
0x138: {  	[sflag:s5] =	ssyncset.done $0x0  }
0x139: {  	[sflag:s5] =	ssyncadd.s32 $0xFFFFC000  }
0x13a: {  	v3 =	vld [tilespmem:s10+$0xFFFFFF70];
	_ =	sdelay $0x4  }
0x13b: {  	v60 =	vshll.u32 v3, $0x2  }
0x13c: {  	v3 =	vand.u32 $0x7, v3;
	v4 =	vand.u32 $0xFFFFFFE0, v60  }
0x13d: {  	v3 =	vor.u32 v3, v4  }
0x13e: {  	v4 =	vperm.xlane v3, v0;
	_ =	sdelay $0x1  }
0x13f: {  	v4 =	vadd.s32 v1, v4;
	_ =	sdelay $0x1  }
0x140: {  	v3 =	vperm.xlane v3, v2;
	_ =	sdelay $0x1  }
0x141: {  	v3 =	vadd.s32 v1, v3  }
0x142: {  	[tilespmem:s3], [sflag:$0x4] =	stream.indirect_vreg.gather [hbm4b:s4+s2], $0x80, v4, vm0, $0xb8;
	[tilespmem:$0x1A400] =	vst v63  }
0x143: {  	s13 =	simm.s32 $0x12C00  }
0x144: {  	[tilespmem:s13], [sflag:$0x4] =	stream.indirect_vreg.gather [hbm4b:s9+s2], $0x80, v4, vm0, $0xb8;
	[tilespmem:$0x1A400] =	vst v63  }
0x145: {  	s13 =	simm.s32 $0x13400  }
0x146: {  	[tilespmem:s13], [sflag:$0x4] =	stream.indirect_vreg.gather [hbm4b:s4+s2], $0x80, v3, vm0, $0xb8;
	[tilespmem:$0x1A400] =	vst v63  }
0x147: {  	s13 =	simm.s32 $0x13C00  }
0x148: {  	[tilespmem:s13], [sflag:$0x4] =	stream.indirect_vreg.gather [hbm4b:s9+s2], $0x80, v3, vm0, $0xb8;
	[tilespmem:$0x1A400] =	vst v63  }
0x149: {  	v3 =	vld [tilespmem:s10+$0xFFFFFF80];
	_ =	sdelay $0x4  }
0x14a: {  	v61 =	vshll.u32 v3, $0x2  }
0x14b: {  	v3 =	vand.u32 $0x7, v3;
	v4 =	vand.u32 $0xFFFFFFE0, v61  }
0x14c: {  	v3 =	vor.u32 v3, v4  }
0x14d: {  	v4 =	vperm.xlane v3, v0;
	_ =	sdelay $0x1  }
0x14e: {  	v4 =	vadd.s32 v1, v4;
	_ =	sdelay $0x1  }
0x14f: {  	v3 =	vperm.xlane v3, v2;
	_ =	sdelay $0x1  }
0x150: {  	s13 =	simm.s32 $0x14400;
	v3 =	vadd.s32 v1, v3  }
0x151: {  	[tilespmem:s13], [sflag:$0x4] =	stream.indirect_vreg.gather [hbm4b:s4+s2], $0x80, v4, vm0, $0xb8;
	[tilespmem:$0x1A400] =	vst v63  }
0x152: {  	s13 =	simm.s32 $0x14C00  }
0x153: {  	[tilespmem:s13], [sflag:$0x4] =	stream.indirect_vreg.gather [hbm4b:s9+s2], $0x80, v4, vm0, $0xb8;
	[tilespmem:$0x1A400] =	vst v63  }
0x154: {  	s13 =	simm.s32 $0x15400  }
0x155: {  	[tilespmem:s13], [sflag:$0x4] =	stream.indirect_vreg.gather [hbm4b:s4+s2], $0x80, v3, vm0, $0xb8;
	[tilespmem:$0x1A400] =	vst v63  }
0x156: {  	_ = 	snop  }
0x157: {  	[tilespmem:s14], [sflag:$0x4] =	stream.indirect_vreg.gather [hbm4b:s9+s2], $0x80, v3, vm0, $0xb8;
	[tilespmem:$0x1A400] =	vst v63  }
0x158: {  	_ =	swait.ge [sflag:s7], $0x4000  }
0x159: {  	[sflag:s7] =	ssyncset.done $0x0  }
0x15a: {  	[sflag:s7] =	ssyncadd.s32 $0xFFFFC000  }
0x15b: {  	v3 =	vld [tilespmem:s10+$0xFFFFFFF0];
	_ =	sdelay $0x4  }
0x15c: {  	v62 =	vshll.u32 v3, $0x2  }
0x15d: {  	v3 =	vand.u32 $0x7, v3;
	v4 =	vand.u32 $0xFFFFFFE0, v62  }
0x15e: {  	v3 =	vor.u32 v3, v4  }
0x15f: {  	v4 =	vperm.xlane v3, v0;
	_ =	sdelay $0x1  }
0x160: {  	v4 =	vadd.s32 v1, v4;
	_ =	sdelay $0x1  }
0x161: {  	v3 =	vperm.xlane v3, v2;
	_ =	sdelay $0x1  }
0x162: {  	v3 =	vadd.s32 v1, v3  }
0x163: {  	[tilespmem:s15], [sflag:$0x5] =	stream.indirect_vreg.gather [hbm4b:s4+s2], $0x80, v4, vm0, $0xb8;
	[tilespmem:$0x1A400] =	vst v63  }
0x164: {  	_ = 	snop  }
0x165: {  	[tilespmem:s16], [sflag:$0x5] =	stream.indirect_vreg.gather [hbm4b:s9+s2], $0x80, v4, vm0, $0xb8;
	[tilespmem:$0x1A400] =	vst v63  }
0x166: {  	_ = 	snop  }
0x167: {  	[tilespmem:s18], [sflag:$0x5] =	stream.indirect_vreg.gather [hbm4b:s4+s2], $0x80, v3, vm0, $0xb8;
	[tilespmem:$0x1A400] =	vst v63  }
0x168: {  	_ = 	snop  }
0x169: {  	[tilespmem:s19], [sflag:$0x5] =	stream.indirect_vreg.gather [hbm4b:s9+s2], $0x80, v3, vm0, $0xb8;
	[tilespmem:$0x1A400] =	vst v63  }
0x16a: {  	v3 =	vld [tilespmem:s10+$0x0];
	_ =	sdelay $0x4  }
0x16b: {  	v63 =	vshll.u32 v3, $0x2  }
0x16c: {  	v3 =	vand.u32 $0x7, v3;
	v4 =	vand.u32 $0xFFFFFFE0, v63  }
0x16d: {  	v3 =	vor.u32 v3, v4  }
0x16e: {  	v4 =	vperm.xlane v3, v0;
	_ =	sdelay $0x1  }
0x16f: {  	v4 =	vadd.s32 v1, v4;
	_ =	sdelay $0x2  }
0x170: {  	v3 =	vperm.xlane v3, v2;
	_ =	sdelay $0x1  }
0x171: {  	v3 =	vadd.s32 v1, v3;
	[tilespmem:s20], [sflag:$0x5] =	stream.indirect_vreg.gather [hbm4b:s4+s2], $0x80, v4, vm0, $0xb8;
	[tilespmem:$0x1A400] =	vst v63  }
0x172: {  	_ = 	snop  }
0x173: {  	[tilespmem:s21], [sflag:$0x5] =	stream.indirect_vreg.gather [hbm4b:s9+s2], $0x80, v4, vm0, $0xb8;
	[tilespmem:$0x1A400] =	vst v63  }
.Ltmp3:
0x174: {  	_ = 	snop;
	(pc) =	sbr.rel .LBB2_2-.Ltmp3, $4  }
0x175: {  	_ = 	snop  }
0x176: {  	[tilespmem:s22], [sflag:$0x5] =	stream.indirect_vreg.gather [hbm4b:s4+s2], $0x80, v3, vm0, $0xb8;
	[tilespmem:$0x1A400] =	vst v63  }
0x177: {  	s11 =	sadd.s32 $0x2800, s11;
	s10 =	sadd.s32 $0x280, s10  }
0x178: {  	[tilespmem:s23], [sflag:$0x5] =	stream.indirect_vreg.gather [hbm4b:s9+s2], $0x80, v3, vm0, $0xb8;
	[tilespmem:$0x1A400] =	vst v63  }
.LBB2_5:
0x179: {  	_ =	sfence.sel $0x180000  }
0x17a: {  	[bflag:$0x0] =	sbarrier.arrive $0xFFFF  }
0x17b: {  	_ =	strace $0x90000047  }
0x17c: {  	s0 =	stileid.u32;
	[bflag:$0x2] =	sbarrier.arrive $0xFFFF  }
0x17d: {  	p0 =	sne.s32 s0, $0x0;
	s0 =	rddreg [dreg:$0x2]  }
0x17e: {  	s0 =	sadd.s32 @!p0 $0x100000, s0  }
0x17f: {  	[sflag:s0] =	ssyncadd.tile.s32 @!p0 $0x1;
	_ =	shalt  }
.Lfunc_end2:
_tile_overlayer_lowered:
.L_overlay_start_2:
0x180: {  	(tag) =	ssettag $0x2  }
0x181: {  	s0 =	rddreg [dreg:$0x0];
	s2 =	stileid.u32  }
0x182: {  	s1 =	rddreg [dreg:$0x1];
	p0 =	sne.s32 s2, $0x0  }
0x183: {  	s3 =	rddreg [dreg:$0x2];
	[bflag:$0x3] =	sbarrier.arrive $0xFFFF;
	s2 =	simm.s32 @!p0 $0x1C0B  }
0x184: {  	[timem:s3], [sflag:s2] =	dma.local @!p0 [hbm:s0], s1  }
0x185: {  	s0 =	simm.s32 @!p0 $0xB  }
0x186: {  	_ =	swait.ge @!p0 [sflag:s0], s1  }
0x187: {  	s1 =	ssub.s32 @!p0 $0x0, s1;
	[sflag:s0] =	ssyncset.done @!p0 $0x0  }
0x188: {  	[sflag:s0] =	ssyncadd.s32 @!p0 s1  }
0x189: {  	[bflag:$0x3] =	sbarrier.arrive $0xFFFF  }
0x18a: {  	_ =	shalt  }

</sc_bundles>
